<compile_context>
chip_gen: v7x
topology: tpu7x:2x2x1
jax: 0.10.2.dev20260603
libtpu: 0.0.44.dev20260713+nightly
codegen_flags: <defaults>
</compile_context>

<pallas_src>
import functools

import jax
import jax.numpy as jnp
from jax import lax
from jax.experimental import pallas as pl
from jax.experimental.pallas import tpu as pltpu
from jax.experimental.pallas import tpu_sc as plsc

NC = 2
NS = 16
CHUNK = 80
SEG = 64
D = 128


def _mesh():
    return plsc.VectorSubcoreMesh(
        core_axis_name="c", subcore_axis_name="s",
        num_cores=NC, num_subcores=NS)


def _mm_body(h_ref, w_ref, norm_ref, out_ref):
    out_ref[...] = (
        jnp.dot(h_ref[...], w_ref[...], preferred_element_type=jnp.float32)
        * norm_ref[...]
    )


def _matmul_norm(h, W, norm):
    n, d_in = h.shape
    d_out = W.shape[1]
    bm = 2000
    return pl.pallas_call(
        _mm_body,
        grid=(n // bm,),
        in_specs=[
            pl.BlockSpec((bm, d_in), lambda i: (i, 0)),
            pl.BlockSpec((d_in, d_out), lambda i: (0, 0)),
            pl.BlockSpec((bm, 1), lambda i: (i, 0)),
        ],
        out_specs=pl.BlockSpec((bm, d_out), lambda i: (i, 0)),
        out_shape=jax.ShapeDtypeStruct((n, d_out), jnp.float32),
    )(h, W, norm)


def _combine_body(a_ref, b_ref, norm_ref, out_ref):
    out_ref[...] = (a_ref[0] + b_ref[0]) * norm_ref[...]


def _combine(partials, norm):
    n, _ = norm.shape
    bm = 2000
    return pl.pallas_call(
        _combine_body,
        grid=(n // bm,),
        in_specs=[
            pl.BlockSpec((1, bm, D), lambda i: (0, i, 0)),
            pl.BlockSpec((1, bm, D), lambda i: (1, i, 0)),
            pl.BlockSpec((bm, 1), lambda i: (i, 0)),
        ],
        out_specs=pl.BlockSpec((bm, D), lambda i: (i, 0)),
        out_shape=jax.ShapeDtypeStruct((n, D), jnp.float32),
    )(partials, partials, norm)


def _make_scatter(n_nodes, chunks_per_tile):
    align = NS * 8
    acc_rows = ((n_nodes + 1 + align - 1) // align) * align
    zrows = acc_rows // NS

    assert chunks_per_tile % SEG == 0

    @functools.partial(
        pl.kernel,
        out_type=jax.ShapeDtypeStruct((NC, acc_rows, D), jnp.float32),
        mesh=_mesh(),
        scratch_types=[
            pltpu.VMEM((SEG, CHUNK), jnp.int32),
            pltpu.VMEM((SEG, CHUNK), jnp.int32),
            pltpu.VMEM((CHUNK, D), jnp.float32),
            pltpu.VMEM((CHUNK, D), jnp.float32),
            pltpu.VMEM((CHUNK, D), jnp.float32),
            pltpu.VMEM_SHARED((acc_rows, D), jnp.float32),
            pltpu.SemaphoreType.DMA,
            pltpu.SemaphoreType.DMA,
            pltpu.SemaphoreType.DMA,
            pltpu.SemaphoreType.DMA,
            pltpu.SemaphoreType.DMA,
            pltpu.SemaphoreType.DMA,
        ],
    )
    def scatter_kernel(hprime, main_idx, tail_idx, zeros_hbm, out, src_v,
                       dst_v, rows0, rows1, rows2, acc,
                       gsem0, gsem1, gsem2, ssem0, ssem1, ssem2):
        c = lax.axis_index("c")
        s = lax.axis_index("s")
        wid = c * NS + s
        trow = wid * chunks_per_tile
        is_tail = wid == NC * NS - 1
        rows = (rows0, rows1, rows2)
        gsem = (gsem0, gsem1, gsem2)
        ssem = (ssem0, ssem1, ssem2)
        pltpu.sync_copy(zeros_hbm, acc.at[pl.ds(s * zrows, zrows)])
        plsc.subcore_barrier()

        def wait_g(j, b):
            pltpu.make_async_copy(
                hprime.at[src_v.at[j]], rows[b], gsem[b]).wait()

        def issue_g(j, b):
            pltpu.async_copy(hprime.at[src_v.at[j]], rows[b], gsem[b])

        def issue_s(j, b):
            pltpu.async_copy(rows[b], acc.at[dst_v.at[j]], ssem[b], add=True)

        def wait_s(j, b):
            pltpu.make_async_copy(
                rows[b], acc.at[dst_v.at[j]], ssem[b]).wait()

        for sg in range(chunks_per_tile // SEG):
            base = sg * SEG

            @pl.when(is_tail)
            def _():
                pltpu.sync_copy(tail_idx.at[0, pl.ds(base, SEG)], src_v)
                pltpu.sync_copy(tail_idx.at[1, pl.ds(base, SEG)], dst_v)

            @pl.when(jnp.logical_not(is_tail))
            def _():
                pltpu.sync_copy(main_idx.at[0, pl.ds(trow + base, SEG)],
                                src_v)
                pltpu.sync_copy(main_idx.at[1, pl.ds(trow + base, SEG)],
                                dst_v)
            issue_g(0, 0)
            issue_g(1, 1)
            wait_g(0, 0)
            issue_s(0, 0)
            issue_g(2, 2)

            def step(i, carry):
                for k in range(3):
                    j = 3 * i + 1 + k
                    b = (1 + k) % 3
                    wait_g(j, b)
                    issue_s(j, b)
                    wait_s(j - 1, k % 3)
                    issue_g(j + 2, k % 3)
                return carry

            lax.fori_loop(0, (SEG - 4) // 3, step, 0)
            j = SEG - 3
            wait_g(j, j % 3)
            issue_s(j, j % 3)
            wait_s(j - 1, (j - 1) % 3)
            issue_g(j + 2, (j + 2) % 3)
            for j in (SEG - 2, SEG - 1):
                wait_g(j, j % 3)
                issue_s(j, j % 3)
                wait_s(j - 1, (j - 1) % 3)
            wait_s(SEG - 1, (SEG - 1) % 3)

        plsc.subcore_barrier()
        pltpu.sync_copy(acc.at[pl.ds(s * zrows, zrows)],
                        out.at[c, pl.ds(s * zrows, zrows)])

    return scatter_kernel, acc_rows


def kernel(h, edge_index, norm, W):
    n_nodes = h.shape[0]
    n_edges = edge_index.shape[1]

    hprime = _matmul_norm(h, W, norm)

    n_tiles = NC * NS
    chunks_per_tile = -(-n_edges // (n_tiles * CHUNK))
    chunks_per_tile = ((chunks_per_tile + SEG - 1) // SEG) * SEG

    scatter_kernel, acc_rows = _make_scatter(n_nodes, chunks_per_tile)

    assert n_edges % CHUNK == 0
    real_rows = n_edges // CHUNK
    rows_total = n_tiles * chunks_per_tile
    pad_rows = rows_total - real_rows
    assert 0 < pad_rows <= chunks_per_tile
    main_idx = edge_index.reshape(2, real_rows, CHUNK)
    pad = pad_rows * CHUNK
    spare = acc_rows - n_nodes
    pad_src = (jnp.arange(pad, dtype=jnp.int32) % n_nodes
               ).reshape(1, pad_rows, CHUNK)
    pad_dst = (n_nodes + jnp.arange(pad, dtype=jnp.int32) % spare
               ).reshape(1, pad_rows, CHUNK)
    pad_idx = jnp.concatenate([pad_src, pad_dst], axis=0)
    tail_real = chunks_per_tile - pad_rows
    tail_idx = jnp.concatenate(
        [main_idx[:, real_rows - tail_real:], pad_idx], axis=1)
    zeros = jnp.zeros((acc_rows // NS, D), jnp.float32)

    partials = scatter_kernel(hprime, main_idx, tail_idx, zeros)

    return _combine(partials, norm)

# --- scband reference (transcript-rebuilt; emitter-appended) ---
"""Pipeline reference for scband-egl-gcnconv-test-40767829573731 (READ-ONLY COPY).

The authoritative reference and input builder live on the scoring server;
editing this copy changes nothing except your own understanding.
"""

import jax, jax.numpy as jnp
import numpy as np

N_NODES = 10000
N_EDGES = 320000
D_IN = 128
D_OUT = 128


def setup_inputs(seed: int = 0) -> dict:
    key = jax.random.key(seed)
    k1, k2, k3 = jax.random.split(key, 3)
    h = jax.random.normal(k1, (N_NODES, D_IN), dtype=jnp.float32)
    edge_index = jax.random.randint(k2, (2, N_EDGES), 0, N_NODES, dtype=jnp.int32)
    stdv = 1.0 / np.sqrt(D_OUT)
    W = jax.random.uniform(k3, (D_IN, D_OUT), dtype=jnp.float32, minval=-stdv, maxval=stdv)
    # GCN symmetric norm from in-degree (mirrors g.ndata['norm'] = deg^{-1/2})
    deg = jnp.bincount(edge_index[1], length=N_NODES).astype(jnp.float32)
    norm = jnp.where(deg > 0, 1.0 / jnp.sqrt(jnp.maximum(deg, 1.0)), 0.0).reshape(-1, 1)
    return {"h": h, "edge_index": edge_index, "norm": norm, "W": W}


def reference(h, edge_index, norm, W):
    # h = dropout(h) with p=0.0 -> identity
    h = jnp.dot(h, W)                      # linear transform
    h = h * norm                           # pre-normalize by deg^{-1/2}
    src = edge_index[0]
    dst = edge_index[1]
    msgs = jnp.take(h, src, axis=0)        # gather: copy_src(h -> m)
    agg = jax.ops.segment_sum(msgs, dst, num_segments=N_NODES)  # sum(m -> h)
    out = agg * norm                       # post-normalize by deg^{-1/2}
    return out

if __name__ == "__main__":
    import jax
    _d = setup_inputs()
    print(jax.jit(kernel)(*tuple(_d.values())))

</pallas_src>

<mosaic_0001>
#map = affine_map<(d0, d1) -> (0, 0)>
#map1 = affine_map<(d0, d1) -> (0, 0, 0)>
module attributes {stable_mosaic.version = 14 : i64} {
  func.func @scatter_kernel(%arg0: i32, %arg1: i32, %arg2: memref<10000x128xf32, #tpu.memory_space<hbm>>, %arg3: memref<2x4000x80xi32, #tpu.memory_space<hbm>>, %arg4: memref<2x128x80xi32, #tpu.memory_space<hbm>>, %arg5: memref<632x128xf32, #tpu.memory_space<hbm>>, %arg6: memref<2x10112x128xf32, #tpu.memory_space<hbm>>, %arg7: memref<64x80xi32, #tpu.memory_space<vmem>>, %arg8: memref<64x80xi32, #tpu.memory_space<vmem>>, %arg9: memref<80x128xf32, #tpu.memory_space<vmem>>, %arg10: memref<80x128xf32, #tpu.memory_space<vmem>>, %arg11: memref<80x128xf32, #tpu.memory_space<vmem>>, %arg12: memref<10112x128xf32, #tpu.memory_space<vmem_shared>>, %arg13: memref<!tpu.dma_semaphore, #tpu.memory_space<semaphore_mem>>, %arg14: memref<!tpu.dma_semaphore, #tpu.memory_space<semaphore_mem>>, %arg15: memref<!tpu.dma_semaphore, #tpu.memory_space<semaphore_mem>>, %arg16: memref<!tpu.dma_semaphore, #tpu.memory_space<semaphore_mem>>, %arg17: memref<!tpu.dma_semaphore, #tpu.memory_space<semaphore_mem>>, %arg18: memref<!tpu.dma_semaphore, #tpu.memory_space<semaphore_mem>>) attributes {dimension_semantics = [#tpu.dimension_semantics<core_parallel>, #tpu.dimension_semantics<subcore_parallel>], iteration_bounds = array<i64: 2, 16>, scalar_prefetch = 0 : i64, scratch_operands = 12 : i64, tpu.core_type = #tpu.core_type<sc_vector_subcore>, window_params = [{transform_indices = #map}, {transform_indices = #map1}, {transform_indices = #map1}, {transform_indices = #map}, {transform_indices = #map1}]} {
    %mul3A = arith.constant 16 : i32
    %mul3A_0 = arith.muli %arg0, %mul3A : i32
    %add3A = arith.addi %mul3A_0, %arg1 : i32
    %mul3A_1 = arith.constant 128 : i32
    %mul3A_2 = arith.muli %add3A, %mul3A_1 : i32
    %eq3A = arith.constant 31 : i32
    %eq3A_3 = arith.cmpi eq, %add3A, %eq3A : i32
    %mul3A_4 = arith.constant 632 : i32
    %mul3A_5 = arith.muli %arg1, %mul3A_4 : i32
    "tpu.region"() ({
      %run_scoped3A = tpu.sem_alloc : memref<!tpu.dma_semaphore, #tpu.memory_space<semaphore_mem>>
      %dma_start3A_257 = arith.constant 0 : i32
      %dma_start3A_258 = tpu.memref_slice %arg12[%mul3A_5, %dma_start3A_257] : memref<10112x128xf32, #tpu.memory_space<vmem_shared>> -> memref<632x128xf32, #tpu.memory_space<vmem_shared>>
      tpu.enqueue_dma source(%arg5 : memref<632x128xf32, #tpu.memory_space<hbm>>) target(%dma_start3A_258 : memref<632x128xf32, #tpu.memory_space<vmem_shared>>) target_semaphore(%run_scoped3A : memref<!tpu.dma_semaphore, #tpu.memory_space<semaphore_mem>>)
      %dma_wait3A_259 = arith.constant 0 : i32
      %dma_wait3A_260 = tpu.memref_slice %arg12[%mul3A_5, %dma_wait3A_259] : memref<10112x128xf32, #tpu.memory_space<vmem_shared>> -> memref<632x128xf32, #tpu.memory_space<vmem_shared>>
      tpu.wait_dma2 semaphore(%run_scoped3A : memref<!tpu.dma_semaphore, #tpu.memory_space<semaphore_mem>>) src(%arg5 : memref<632x128xf32, #tpu.memory_space<hbm>>) dst(%dma_wait3A_260 : memref<632x128xf32, #tpu.memory_space<vmem_shared>>)
      tpu.yield
    }) : () -> ()
    %barrier3A = arith.constant 0 : index
    tpu.barrier barrier_id(%barrier3A)
    %convert_element_type3A = arith.extui %eq3A_3 : i1 to i32
    %cond3A = arith.constant 0 : i32
    %cond3A_6 = arith.cmpi ne, %convert_element_type3A, %cond3A : i32
    scf.if %cond3A_6 {
      %run_scoped3A = arith.constant 0 : i32
      "tpu.region"() ({
        %run_scoped3A_258 = tpu.sem_alloc : memref<!tpu.dma_semaphore, #tpu.memory_space<semaphore_mem>>
        %dma_start3A_259 = arith.constant 0 : i32
        %dma_start3A_260 = arith.constant 0 : i32
        %dma_start3A_261 = tpu.memref_slice %arg4[%run_scoped3A, %dma_start3A_259, %dma_start3A_260] : memref<2x128x80xi32, #tpu.memory_space<hbm>> -> memref<1x64x80xi32, #tpu.memory_space<hbm>>
        %dma_start3A_262 = tpu.memref_squeeze %dma_start3A_261 : memref<1x64x80xi32, #tpu.memory_space<hbm>> -> memref<64x80xi32, #tpu.memory_space<hbm>>
        %dma_start3A_263 = arith.constant 0 : i32
        %dma_start3A_264 = arith.constant 0 : i32
        %dma_start3A_265 = tpu.memref_slice %arg4[%run_scoped3A, %dma_start3A_263, %dma_start3A_264] : memref<2x128x80xi32, #tpu.memory_space<hbm>> -> memref<1x64x80xi32, #tpu.memory_space<hbm>>
        %dma_start3A_266 = tpu.memref_squeeze %dma_start3A_265 : memref<1x64x80xi32, #tpu.memory_space<hbm>> -> memref<64x80xi32, #tpu.memory_space<hbm>>
        tpu.enqueue_dma source(%dma_start3A_266 : memref<64x80xi32, #tpu.memory_space<hbm>>) target(%arg7 : memref<64x80xi32, #tpu.memory_space<vmem>>) target_semaphore(%run_scoped3A_258 : memref<!tpu.dma_semaphore, #tpu.memory_space<semaphore_mem>>)
        %dma_wait3A_267 = arith.constant 0 : i32
        %dma_wait3A_268 = arith.constant 0 : i32
        %dma_wait3A_269 = tpu.memref_slice %arg4[%run_scoped3A, %dma_wait3A_267, %dma_wait3A_268] : memref<2x128x80xi32, #tpu.memory_space<hbm>> -> memref<1x64x80xi32, #tpu.memory_space<hbm>>
        %dma_wait3A_270 = tpu.memref_squeeze %dma_wait3A_269 : memref<1x64x80xi32, #tpu.memory_space<hbm>> -> memref<64x80xi32, #tpu.memory_space<hbm>>
        %dma_wait3A_271 = arith.constant 0 : i32
        %dma_wait3A_272 = arith.constant 0 : i32
        %dma_wait3A_273 = tpu.memref_slice %arg4[%run_scoped3A, %dma_wait3A_271, %dma_wait3A_272] : memref<2x128x80xi32, #tpu.memory_space<hbm>> -> memref<1x64x80xi32, #tpu.memory_space<hbm>>
        %dma_wait3A_274 = tpu.memref_squeeze %dma_wait3A_273 : memref<1x64x80xi32, #tpu.memory_space<hbm>> -> memref<64x80xi32, #tpu.memory_space<hbm>>
        tpu.wait_dma2 semaphore(%run_scoped3A_258 : memref<!tpu.dma_semaphore, #tpu.memory_space<semaphore_mem>>) src(%dma_wait3A_274 : memref<64x80xi32, #tpu.memory_space<hbm>>) dst(%arg7 : memref<64x80xi32, #tpu.memory_space<vmem>>)
        tpu.yield
      }) : () -> ()
      %run_scoped3A_257 = arith.constant 1 : i32
      "tpu.region"() ({
        %run_scoped3A_258 = tpu.sem_alloc : memref<!tpu.dma_semaphore, #tpu.memory_space<semaphore_mem>>
        %dma_start3A_259 = arith.constant 0 : i32
        %dma_start3A_260 = arith.constant 0 : i32
        %dma_start3A_261 = tpu.memref_slice %arg4[%run_scoped3A_257, %dma_start3A_259, %dma_start3A_260] : memref<2x128x80xi32, #tpu.memory_space<hbm>> -> memref<1x64x80xi32, #tpu.memory_space<hbm>>
        %dma_start3A_262 = tpu.memref_squeeze %dma_start3A_261 : memref<1x64x80xi32, #tpu.memory_space<hbm>> -> memref<64x80xi32, #tpu.memory_space<hbm>>
        %dma_start3A_263 = arith.constant 0 : i32
        %dma_start3A_264 = arith.constant 0 : i32
        %dma_start3A_265 = tpu.memref_slice %arg4[%run_scoped3A_257, %dma_start3A_263, %dma_start3A_264] : memref<2x128x80xi32, #tpu.memory_space<hbm>> -> memref<1x64x80xi32, #tpu.memory_space<hbm>>
        %dma_start3A_266 = tpu.memref_squeeze %dma_start3A_265 : memref<1x64x80xi32, #tpu.memory_space<hbm>> -> memref<64x80xi32, #tpu.memory_space<hbm>>
        tpu.enqueue_dma source(%dma_start3A_266 : memref<64x80xi32, #tpu.memory_space<hbm>>) target(%arg8 : memref<64x80xi32, #tpu.memory_space<vmem>>) target_semaphore(%run_scoped3A_258 : memref<!tpu.dma_semaphore, #tpu.memory_space<semaphore_mem>>)
        %dma_wait3A_267 = arith.constant 0 : i32
        %dma_wait3A_268 = arith.constant 0 : i32
        %dma_wait3A_269 = tpu.memref_slice %arg4[%run_scoped3A_257, %dma_wait3A_267, %dma_wait3A_268] : memref<2x128x80xi32, #tpu.memory_space<hbm>> -> memref<1x64x80xi32, #tpu.memory_space<hbm>>
        %dma_wait3A_270 = tpu.memref_squeeze %dma_wait3A_269 : memref<1x64x80xi32, #tpu.memory_space<hbm>> -> memref<64x80xi32, #tpu.memory_space<hbm>>
        %dma_wait3A_271 = arith.constant 0 : i32
        %dma_wait3A_272 = arith.constant 0 : i32
        %dma_wait3A_273 = tpu.memref_slice %arg4[%run_scoped3A_257, %dma_wait3A_271, %dma_wait3A_272] : memref<2x128x80xi32, #tpu.memory_space<hbm>> -> memref<1x64x80xi32, #tpu.memory_space<hbm>>
        %dma_wait3A_274 = tpu.memref_squeeze %dma_wait3A_273 : memref<1x64x80xi32, #tpu.memory_space<hbm>> -> memref<64x80xi32, #tpu.memory_space<hbm>>
        tpu.wait_dma2 semaphore(%run_scoped3A_258 : memref<!tpu.dma_semaphore, #tpu.memory_space<semaphore_mem>>) src(%dma_wait3A_274 : memref<64x80xi32, #tpu.memory_space<hbm>>) dst(%arg8 : memref<64x80xi32, #tpu.memory_space<vmem>>)
        tpu.yield
      }) : () -> ()
    } else {
    }
    %not3A = arith.constant true
    %not3A_7 = arith.xori %eq3A_3, %not3A : i1
    %convert_element_type3A_8 = arith.extui %not3A_7 : i1 to i32
    %cond3A_9 = arith.constant 0 : i32
    %cond3A_10 = arith.cmpi ne, %convert_element_type3A_8, %cond3A_9 : i32
    scf.if %cond3A_10 {
      %add3A_257 = arith.constant 0 : i32
      %add3A_258 = arith.addi %mul3A_2, %add3A_257 : i32
      %run_scoped3A = arith.constant 0 : i32
      "tpu.region"() ({
        %run_scoped3A_262 = tpu.sem_alloc : memref<!tpu.dma_semaphore, #tpu.memory_space<semaphore_mem>>
        %dma_start3A_263 = arith.constant 0 : i32
        %dma_start3A_264 = tpu.memref_slice %arg3[%run_scoped3A, %add3A_258, %dma_start3A_263] : memref<2x4000x80xi32, #tpu.memory_space<hbm>> -> memref<1x64x80xi32, #tpu.memory_space<hbm>>
        %dma_start3A_265 = tpu.memref_squeeze %dma_start3A_264 : memref<1x64x80xi32, #tpu.memory_space<hbm>> -> memref<64x80xi32, #tpu.memory_space<hbm>>
        %dma_start3A_266 = arith.constant 0 : i32
        %dma_start3A_267 = tpu.memref_slice %arg3[%run_scoped3A, %add3A_258, %dma_start3A_266] : memref<2x4000x80xi32, #tpu.memory_space<hbm>> -> memref<1x64x80xi32, #tpu.memory_space<hbm>>
        %dma_start3A_268 = tpu.memref_squeeze %dma_start3A_267 : memref<1x64x80xi32, #tpu.memory_space<hbm>> -> memref<64x80xi32, #tpu.memory_space<hbm>>
        tpu.enqueue_dma source(%dma_start3A_268 : memref<64x80xi32, #tpu.memory_space<hbm>>) target(%arg7 : memref<64x80xi32, #tpu.memory_space<vmem>>) target_semaphore(%run_scoped3A_262 : memref<!tpu.dma_semaphore, #tpu.memory_space<semaphore_mem>>)
        %dma_wait3A_269 = arith.constant 0 : i32
        %dma_wait3A_270 = tpu.memref_slice %arg3[%run_scoped3A, %add3A_258, %dma_wait3A_269] : memref<2x4000x80xi32, #tpu.memory_space<hbm>> -> memref<1x64x80xi32, #tpu.memory_space<hbm>>
        %dma_wait3A_271 = tpu.memref_squeeze %dma_wait3A_270 : memref<1x64x80xi32, #tpu.memory_space<hbm>> -> memref<64x80xi32, #tpu.memory_space<hbm>>
        %dma_wait3A_272 = arith.constant 0 : i32
        %dma_wait3A_273 = tpu.memref_slice %arg3[%run_scoped3A, %add3A_258, %dma_wait3A_272] : memref<2x4000x80xi32, #tpu.memory_space<hbm>> -> memref<1x64x80xi32, #tpu.memory_space<hbm>>
        %dma_wait3A_274 = tpu.memref_squeeze %dma_wait3A_273 : memref<1x64x80xi32, #tpu.memory_space<hbm>> -> memref<64x80xi32, #tpu.memory_space<hbm>>
        tpu.wait_dma2 semaphore(%run_scoped3A_262 : memref<!tpu.dma_semaphore, #tpu.memory_space<semaphore_mem>>) src(%dma_wait3A_274 : memref<64x80xi32, #tpu.memory_space<hbm>>) dst(%arg7 : memref<64x80xi32, #tpu.memory_space<vmem>>)
        tpu.yield
      }) : () -> ()
      %add3A_259 = arith.constant 0 : i32
      %add3A_260 = arith.addi %mul3A_2, %add3A_259 : i32
      %run_scoped3A_261 = arith.constant 1 : i32
      "tpu.region"() ({
        %run_scoped3A_262 = tpu.sem_alloc : memref<!tpu.dma_semaphore, #tpu.memory_space<semaphore_mem>>
        %dma_start3A_263 = arith.constant 0 : i32
        %dma_start3A_264 = tpu.memref_slice %arg3[%run_scoped3A_261, %add3A_260, %dma_start3A_263] : memref<2x4000x80xi32, #tpu.memory_space<hbm>> -> memref<1x64x80xi32, #tpu.memory_space<hbm>>
        %dma_start3A_265 = tpu.memref_squeeze %dma_start3A_264 : memref<1x64x80xi32, #tpu.memory_space<hbm>> -> memref<64x80xi32, #tpu.memory_space<hbm>>
        %dma_start3A_266 = arith.constant 0 : i32
        %dma_start3A_267 = tpu.memref_slice %arg3[%run_scoped3A_261, %add3A_260, %dma_start3A_266] : memref<2x4000x80xi32, #tpu.memory_space<hbm>> -> memref<1x64x80xi32, #tpu.memory_space<hbm>>
        %dma_start3A_268 = tpu.memref_squeeze %dma_start3A_267 : memref<1x64x80xi32, #tpu.memory_space<hbm>> -> memref<64x80xi32, #tpu.memory_space<hbm>>
        tpu.enqueue_dma source(%dma_start3A_268 : memref<64x80xi32, #tpu.memory_space<hbm>>) target(%arg8 : memref<64x80xi32, #tpu.memory_space<vmem>>) target_semaphore(%run_scoped3A_262 : memref<!tpu.dma_semaphore, #tpu.memory_space<semaphore_mem>>)
        %dma_wait3A_269 = arith.constant 0 : i32
        %dma_wait3A_270 = tpu.memref_slice %arg3[%run_scoped3A_261, %add3A_260, %dma_wait3A_269] : memref<2x4000x80xi32, #tpu.memory_space<hbm>> -> memref<1x64x80xi32, #tpu.memory_space<hbm>>
        %dma_wait3A_271 = tpu.memref_squeeze %dma_wait3A_270 : memref<1x64x80xi32, #tpu.memory_space<hbm>> -> memref<64x80xi32, #tpu.memory_space<hbm>>
        %dma_wait3A_272 = arith.constant 0 : i32
        %dma_wait3A_273 = tpu.memref_slice %arg3[%run_scoped3A_261, %add3A_260, %dma_wait3A_272] : memref<2x4000x80xi32, #tpu.memory_space<hbm>> -> memref<1x64x80xi32, #tpu.memory_space<hbm>>
        %dma_wait3A_274 = tpu.memref_squeeze %dma_wait3A_273 : memref<1x64x80xi32, #tpu.memory_space<hbm>> -> memref<64x80xi32, #tpu.memory_space<hbm>>
        tpu.wait_dma2 semaphore(%run_scoped3A_262 : memref<!tpu.dma_semaphore, #tpu.memory_space<semaphore_mem>>) src(%dma_wait3A_274 : memref<64x80xi32, #tpu.memory_space<hbm>>) dst(%arg8 : memref<64x80xi32, #tpu.memory_space<vmem>>)
        tpu.yield
      }) : () -> ()
    } else {
    }
    %dma_start3A = arith.constant 0 : i32
    %dma_start3A_11 = arith.constant 0 : i32
    %dma_start3A_12 = tpu.memref_slice %arg7[%dma_start3A, %dma_start3A_11] : memref<64x80xi32, #tpu.memory_space<vmem>> -> memref<1x80xi32, #tpu.memory_space<vmem>>
    %dma_start3A_13 = tpu.memref_squeeze %dma_start3A_12 : memref<1x80xi32, #tpu.memory_space<vmem>> -> memref<80xi32, #tpu.memory_space<vmem>>
    %dma_start3A_14 = arith.constant 0 : i32
    %dma_start3A_15 = arith.constant 0 : i32
    %dma_start3A_16 = tpu.memref_slice %arg2[%dma_start3A_14, %dma_start3A_15] : memref<10000x128xf32, #tpu.memory_space<hbm>> -> memref<10000x128xf32, #tpu.memory_space<hbm>>
    tpu.enqueue_indirect_dma source(%dma_start3A_16 : memref<10000x128xf32, #tpu.memory_space<hbm>>) target(%arg9 : memref<80x128xf32, #tpu.memory_space<vmem>>) offsets(%dma_start3A_13 : memref<80xi32, #tpu.memory_space<vmem>>) semaphore(%arg13 : memref<!tpu.dma_semaphore, #tpu.memory_space<semaphore_mem>>)
    %dma_start3A_17 = arith.constant 1 : i32
    %dma_start3A_18 = arith.constant 0 : i32
    %dma_start3A_19 = tpu.memref_slice %arg7[%dma_start3A_17, %dma_start3A_18] : memref<64x80xi32, #tpu.memory_space<vmem>> -> memref<1x80xi32, #tpu.memory_space<vmem>>
    %dma_start3A_20 = tpu.memref_squeeze %dma_start3A_19 : memref<1x80xi32, #tpu.memory_space<vmem>> -> memref<80xi32, #tpu.memory_space<vmem>>
    %dma_start3A_21 = arith.constant 0 : i32
    %dma_start3A_22 = arith.constant 0 : i32
    %dma_start3A_23 = tpu.memref_slice %arg2[%dma_start3A_21, %dma_start3A_22] : memref<10000x128xf32, #tpu.memory_space<hbm>> -> memref<10000x128xf32, #tpu.memory_space<hbm>>
    tpu.enqueue_indirect_dma source(%dma_start3A_23 : memref<10000x128xf32, #tpu.memory_space<hbm>>) target(%arg10 : memref<80x128xf32, #tpu.memory_space<vmem>>) offsets(%dma_start3A_20 : memref<80xi32, #tpu.memory_space<vmem>>) semaphore(%arg14 : memref<!tpu.dma_semaphore, #tpu.memory_space<semaphore_mem>>)
    %dma_wait3A = arith.constant 0 : i32
    %dma_wait3A_24 = arith.constant 0 : i32
    %dma_wait3A_25 = tpu.memref_slice %arg7[%dma_wait3A, %dma_wait3A_24] : memref<64x80xi32, #tpu.memory_space<vmem>> -> memref<1x80xi32, #tpu.memory_space<vmem>>
    %dma_wait3A_26 = tpu.memref_squeeze %dma_wait3A_25 : memref<1x80xi32, #tpu.memory_space<vmem>> -> memref<80xi32, #tpu.memory_space<vmem>>
    %dma_wait3A_27 = arith.constant 0 : i32
    %dma_wait3A_28 = arith.constant 0 : i32
    %dma_wait3A_29 = tpu.memref_slice %arg2[%dma_wait3A_27, %dma_wait3A_28] : memref<10000x128xf32, #tpu.memory_space<hbm>> -> memref<10000x128xf32, #tpu.memory_space<hbm>>
    tpu.wait_indirect_dma semaphore(%arg13 : memref<!tpu.dma_semaphore, #tpu.memory_space<semaphore_mem>>) src(%dma_wait3A_29 : memref<10000x128xf32, #tpu.memory_space<hbm>>) dst(%arg9 : memref<80x128xf32, #tpu.memory_space<vmem>>)
    %dma_start3A_30 = arith.constant 0 : i32
    %dma_start3A_31 = arith.constant 0 : i32
    %dma_start3A_32 = tpu.memref_slice %arg8[%dma_start3A_30, %dma_start3A_31] : memref<64x80xi32, #tpu.memory_space<vmem>> -> memref<1x80xi32, #tpu.memory_space<vmem>>
    %dma_start3A_33 = tpu.memref_squeeze %dma_start3A_32 : memref<1x80xi32, #tpu.memory_space<vmem>> -> memref<80xi32, #tpu.memory_space<vmem>>
    %dma_start3A_34 = arith.constant 0 : i32
    %dma_start3A_35 = arith.constant 0 : i32
    %dma_start3A_36 = tpu.memref_slice %arg12[%dma_start3A_34, %dma_start3A_35] : memref<10112x128xf32, #tpu.memory_space<vmem_shared>> -> memref<10112x128xf32, #tpu.memory_space<vmem_shared>>
    tpu.enqueue_indirect_dma source(%arg9 : memref<80x128xf32, #tpu.memory_space<vmem>>) target(%dma_start3A_36 : memref<10112x128xf32, #tpu.memory_space<vmem_shared>>) offsets(%dma_start3A_33 : memref<80xi32, #tpu.memory_space<vmem>>) semaphore(%arg16 : memref<!tpu.dma_semaphore, #tpu.memory_space<semaphore_mem>>) {add = true}
    %dma_start3A_37 = arith.constant 2 : i32
    %dma_start3A_38 = arith.constant 0 : i32
    %dma_start3A_39 = tpu.memref_slice %arg7[%dma_start3A_37, %dma_start3A_38] : memref<64x80xi32, #tpu.memory_space<vmem>> -> memref<1x80xi32, #tpu.memory_space<vmem>>
    %dma_start3A_40 = tpu.memref_squeeze %dma_start3A_39 : memref<1x80xi32, #tpu.memory_space<vmem>> -> memref<80xi32, #tpu.memory_space<vmem>>
    %dma_start3A_41 = arith.constant 0 : i32
    %dma_start3A_42 = arith.constant 0 : i32
    %dma_start3A_43 = tpu.memref_slice %arg2[%dma_start3A_41, %dma_start3A_42] : memref<10000x128xf32, #tpu.memory_space<hbm>> -> memref<10000x128xf32, #tpu.memory_space<hbm>>
    tpu.enqueue_indirect_dma source(%dma_start3A_43 : memref<10000x128xf32, #tpu.memory_space<hbm>>) target(%arg11 : memref<80x128xf32, #tpu.memory_space<vmem>>) offsets(%dma_start3A_40 : memref<80xi32, #tpu.memory_space<vmem>>) semaphore(%arg15 : memref<!tpu.dma_semaphore, #tpu.memory_space<semaphore_mem>>)
    %scan3A = arith.constant 0 : i32
    %scan3A_44 = arith.constant 0 : i32
    %scan3A_45 = arith.constant 20 : i32
    %scan3A_46 = arith.addi %scan3A_44, %scan3A_45 : i32
    %scan3A_47 = arith.constant 1 : i32
    scf.for %scan3A_257 = %scan3A_44 to %scan3A_46 step %scan3A_47  : i32 {
      %mul3A_258 = arith.constant 3 : i32
      %mul3A_259 = arith.muli %mul3A_258, %scan3A_257 : i32
      %add3A_260 = arith.constant 1 : i32
      %add3A_261 = arith.addi %mul3A_259, %add3A_260 : i32
      %add3A_262 = arith.constant 0 : i32
      %add3A_263 = arith.addi %add3A_261, %add3A_262 : i32
      %dma_wait3A_264 = arith.constant 0 : i32
      %dma_wait3A_265 = tpu.memref_slice %arg7[%add3A_263, %dma_wait3A_264] : memref<64x80xi32, #tpu.memory_space<vmem>> -> memref<1x80xi32, #tpu.memory_space<vmem>>
      %dma_wait3A_266 = tpu.memref_squeeze %dma_wait3A_265 : memref<1x80xi32, #tpu.memory_space<vmem>> -> memref<80xi32, #tpu.memory_space<vmem>>
      %dma_wait3A_267 = arith.constant 0 : i32
      %dma_wait3A_268 = arith.constant 0 : i32
      %dma_wait3A_269 = tpu.memref_slice %arg2[%dma_wait3A_267, %dma_wait3A_268] : memref<10000x128xf32, #tpu.memory_space<hbm>> -> memref<10000x128xf32, #tpu.memory_space<hbm>>
      tpu.wait_indirect_dma semaphore(%arg14 : memref<!tpu.dma_semaphore, #tpu.memory_space<semaphore_mem>>) src(%dma_wait3A_269 : memref<10000x128xf32, #tpu.memory_space<hbm>>) dst(%arg10 : memref<80x128xf32, #tpu.memory_space<vmem>>)
      %dma_start3A_270 = arith.constant 0 : i32
      %dma_start3A_271 = tpu.memref_slice %arg8[%add3A_263, %dma_start3A_270] : memref<64x80xi32, #tpu.memory_space<vmem>> -> memref<1x80xi32, #tpu.memory_space<vmem>>
      %dma_start3A_272 = tpu.memref_squeeze %dma_start3A_271 : memref<1x80xi32, #tpu.memory_space<vmem>> -> memref<80xi32, #tpu.memory_space<vmem>>
      %dma_start3A_273 = arith.constant 0 : i32
      %dma_start3A_274 = arith.constant 0 : i32
      %dma_start3A_275 = tpu.memref_slice %arg12[%dma_start3A_273, %dma_start3A_274] : memref<10112x128xf32, #tpu.memory_space<vmem_shared>> -> memref<10112x128xf32, #tpu.memory_space<vmem_shared>>
      tpu.enqueue_indirect_dma source(%arg10 : memref<80x128xf32, #tpu.memory_space<vmem>>) target(%dma_start3A_275 : memref<10112x128xf32, #tpu.memory_space<vmem_shared>>) offsets(%dma_start3A_272 : memref<80xi32, #tpu.memory_space<vmem>>) semaphore(%arg17 : memref<!tpu.dma_semaphore, #tpu.memory_space<semaphore_mem>>) {add = true}
      %sub3A = arith.constant 1 : i32
      %sub3A_276 = arith.subi %add3A_263, %sub3A : i32
      %dma_wait3A_277 = arith.constant 0 : i32
      %dma_wait3A_278 = tpu.memref_slice %arg8[%sub3A_276, %dma_wait3A_277] : memref<64x80xi32, #tpu.memory_space<vmem>> -> memref<1x80xi32, #tpu.memory_space<vmem>>
      %dma_wait3A_279 = tpu.memref_squeeze %dma_wait3A_278 : memref<1x80xi32, #tpu.memory_space<vmem>> -> memref<80xi32, #tpu.memory_space<vmem>>
      %dma_wait3A_280 = arith.constant 0 : i32
      %dma_wait3A_281 = arith.constant 0 : i32
      %dma_wait3A_282 = tpu.memref_slice %arg12[%dma_wait3A_280, %dma_wait3A_281] : memref<10112x128xf32, #tpu.memory_space<vmem_shared>> -> memref<10112x128xf32, #tpu.memory_space<vmem_shared>>
      tpu.wait_indirect_dma semaphore(%arg16 : memref<!tpu.dma_semaphore, #tpu.memory_space<semaphore_mem>>) src(%arg9 : memref<80x128xf32, #tpu.memory_space<vmem>>) dst(%dma_wait3A_282 : memref<10112x128xf32, #tpu.memory_space<vmem_shared>>)
      %add3A_283 = arith.constant 2 : i32
      %add3A_284 = arith.addi %add3A_263, %add3A_283 : i32
      %dma_start3A_285 = arith.constant 0 : i32
      %dma_start3A_286 = tpu.memref_slice %arg7[%add3A_284, %dma_start3A_285] : memref<64x80xi32, #tpu.memory_space<vmem>> -> memref<1x80xi32, #tpu.memory_space<vmem>>
      %dma_start3A_287 = tpu.memref_squeeze %dma_start3A_286 : memref<1x80xi32, #tpu.memory_space<vmem>> -> memref<80xi32, #tpu.memory_space<vmem>>
      %dma_start3A_288 = arith.constant 0 : i32
      %dma_start3A_289 = arith.constant 0 : i32
      %dma_start3A_290 = tpu.memref_slice %arg2[%dma_start3A_288, %dma_start3A_289] : memref<10000x128xf32, #tpu.memory_space<hbm>> -> memref<10000x128xf32, #tpu.memory_space<hbm>>
      tpu.enqueue_indirect_dma source(%dma_start3A_290 : memref<10000x128xf32, #tpu.memory_space<hbm>>) target(%arg9 : memref<80x128xf32, #tpu.memory_space<vmem>>) offsets(%dma_start3A_287 : memref<80xi32, #tpu.memory_space<vmem>>) semaphore(%arg13 : memref<!tpu.dma_semaphore, #tpu.memory_space<semaphore_mem>>)
      %mul3A_291 = arith.constant 3 : i32
      %mul3A_292 = arith.muli %mul3A_291, %scan3A_257 : i32
      %add3A_293 = arith.constant 1 : i32
      %add3A_294 = arith.addi %mul3A_292, %add3A_293 : i32
      %add3A_295 = arith.constant 1 : i32
      %add3A_296 = arith.addi %add3A_294, %add3A_295 : i32
      %dma_wait3A_297 = arith.constant 0 : i32
      %dma_wait3A_298 = tpu.memref_slice %arg7[%add3A_296, %dma_wait3A_297] : memref<64x80xi32, #tpu.memory_space<vmem>> -> memref<1x80xi32, #tpu.memory_space<vmem>>
      %dma_wait3A_299 = tpu.memref_squeeze %dma_wait3A_298 : memref<1x80xi32, #tpu.memory_space<vmem>> -> memref<80xi32, #tpu.memory_space<vmem>>
      %dma_wait3A_300 = arith.constant 0 : i32
      %dma_wait3A_301 = arith.constant 0 : i32
      %dma_wait3A_302 = tpu.memref_slice %arg2[%dma_wait3A_300, %dma_wait3A_301] : memref<10000x128xf32, #tpu.memory_space<hbm>> -> memref<10000x128xf32, #tpu.memory_space<hbm>>
      tpu.wait_indirect_dma semaphore(%arg15 : memref<!tpu.dma_semaphore, #tpu.memory_space<semaphore_mem>>) src(%dma_wait3A_302 : memref<10000x128xf32, #tpu.memory_space<hbm>>) dst(%arg11 : memref<80x128xf32, #tpu.memory_space<vmem>>)
      %dma_start3A_303 = arith.constant 0 : i32
      %dma_start3A_304 = tpu.memref_slice %arg8[%add3A_296, %dma_start3A_303] : memref<64x80xi32, #tpu.memory_space<vmem>> -> memref<1x80xi32, #tpu.memory_space<vmem>>
      %dma_start3A_305 = tpu.memref_squeeze %dma_start3A_304 : memref<1x80xi32, #tpu.memory_space<vmem>> -> memref<80xi32, #tpu.memory_space<vmem>>
      %dma_start3A_306 = arith.constant 0 : i32
      %dma_start3A_307 = arith.constant 0 : i32
      %dma_start3A_308 = tpu.memref_slice %arg12[%dma_start3A_306, %dma_start3A_307] : memref<10112x128xf32, #tpu.memory_space<vmem_shared>> -> memref<10112x128xf32, #tpu.memory_space<vmem_shared>>
      tpu.enqueue_indirect_dma source(%arg11 : memref<80x128xf32, #tpu.memory_space<vmem>>) target(%dma_start3A_308 : memref<10112x128xf32, #tpu.memory_space<vmem_shared>>) offsets(%dma_start3A_305 : memref<80xi32, #tpu.memory_space<vmem>>) semaphore(%arg18 : memref<!tpu.dma_semaphore, #tpu.memory_space<semaphore_mem>>) {add = true}
      %sub3A_309 = arith.constant 1 : i32
      %sub3A_310 = arith.subi %add3A_296, %sub3A_309 : i32
      %dma_wait3A_311 = arith.constant 0 : i32
      %dma_wait3A_312 = tpu.memref_slice %arg8[%sub3A_310, %dma_wait3A_311] : memref<64x80xi32, #tpu.memory_space<vmem>> -> memref<1x80xi32, #tpu.memory_space<vmem>>
      %dma_wait3A_313 = tpu.memref_squeeze %dma_wait3A_312 : memref<1x80xi32, #tpu.memory_space<vmem>> -> memref<80xi32, #tpu.memory_space<vmem>>
      %dma_wait3A_314 = arith.constant 0 : i32
      %dma_wait3A_315 = arith.constant 0 : i32
      %dma_wait3A_316 = tpu.memref_slice %arg12[%dma_wait3A_314, %dma_wait3A_315] : memref<10112x128xf32, #tpu.memory_space<vmem_shared>> -> memref<10112x128xf32, #tpu.memory_space<vmem_shared>>
      tpu.wait_indirect_dma semaphore(%arg17 : memref<!tpu.dma_semaphore, #tpu.memory_space<semaphore_mem>>) src(%arg10 : memref<80x128xf32, #tpu.memory_space<vmem>>) dst(%dma_wait3A_316 : memref<10112x128xf32, #tpu.memory_space<vmem_shared>>)
      %add3A_317 = arith.constant 2 : i32
      %add3A_318 = arith.addi %add3A_296, %add3A_317 : i32
      %dma_start3A_319 = arith.constant 0 : i32
      %dma_start3A_320 = tpu.memref_slice %arg7[%add3A_318, %dma_start3A_319] : memref<64x80xi32, #tpu.memory_space<vmem>> -> memref<1x80xi32, #tpu.memory_space<vmem>>
      %dma_start3A_321 = tpu.memref_squeeze %dma_start3A_320 : memref<1x80xi32, #tpu.memory_space<vmem>> -> memref<80xi32, #tpu.memory_space<vmem>>
      %dma_start3A_322 = arith.constant 0 : i32
      %dma_start3A_323 = arith.constant 0 : i32
      %dma_start3A_324 = tpu.memref_slice %arg2[%dma_start3A_322, %dma_start3A_323] : memref<10000x128xf32, #tpu.memory_space<hbm>> -> memref<10000x128xf32, #tpu.memory_space<hbm>>
      tpu.enqueue_indirect_dma source(%dma_start3A_324 : memref<10000x128xf32, #tpu.memory_space<hbm>>) target(%arg10 : memref<80x128xf32, #tpu.memory_space<vmem>>) offsets(%dma_start3A_321 : memref<80xi32, #tpu.memory_space<vmem>>) semaphore(%arg14 : memref<!tpu.dma_semaphore, #tpu.memory_space<semaphore_mem>>)
      %mul3A_325 = arith.constant 3 : i32
      %mul3A_326 = arith.muli %mul3A_325, %scan3A_257 : i32
      %add3A_327 = arith.constant 1 : i32
      %add3A_328 = arith.addi %mul3A_326, %add3A_327 : i32
      %add3A_329 = arith.constant 2 : i32
      %add3A_330 = arith.addi %add3A_328, %add3A_329 : i32
      %dma_wait3A_331 = arith.constant 0 : i32
      %dma_wait3A_332 = tpu.memref_slice %arg7[%add3A_330, %dma_wait3A_331] : memref<64x80xi32, #tpu.memory_space<vmem>> -> memref<1x80xi32, #tpu.memory_space<vmem>>
      %dma_wait3A_333 = tpu.memref_squeeze %dma_wait3A_332 : memref<1x80xi32, #tpu.memory_space<vmem>> -> memref<80xi32, #tpu.memory_space<vmem>>
      %dma_wait3A_334 = arith.constant 0 : i32
      %dma_wait3A_335 = arith.constant 0 : i32
      %dma_wait3A_336 = tpu.memref_slice %arg2[%dma_wait3A_334, %dma_wait3A_335] : memref<10000x128xf32, #tpu.memory_space<hbm>> -> memref<10000x128xf32, #tpu.memory_space<hbm>>
      tpu.wait_indirect_dma semaphore(%arg13 : memref<!tpu.dma_semaphore, #tpu.memory_space<semaphore_mem>>) src(%dma_wait3A_336 : memref<10000x128xf32, #tpu.memory_space<hbm>>) dst(%arg9 : memref<80x128xf32, #tpu.memory_space<vmem>>)
      %dma_start3A_337 = arith.constant 0 : i32
      %dma_start3A_338 = tpu.memref_slice %arg8[%add3A_330, %dma_start3A_337] : memref<64x80xi32, #tpu.memory_space<vmem>> -> memref<1x80xi32, #tpu.memory_space<vmem>>
      %dma_start3A_339 = tpu.memref_squeeze %dma_start3A_338 : memref<1x80xi32, #tpu.memory_space<vmem>> -> memref<80xi32, #tpu.memory_space<vmem>>
      %dma_start3A_340 = arith.constant 0 : i32
      %dma_start3A_341 = arith.constant 0 : i32
      %dma_start3A_342 = tpu.memref_slice %arg12[%dma_start3A_340, %dma_start3A_341] : memref<10112x128xf32, #tpu.memory_space<vmem_shared>> -> memref<10112x128xf32, #tpu.memory_space<vmem_shared>>
      tpu.enqueue_indirect_dma source(%arg9 : memref<80x128xf32, #tpu.memory_space<vmem>>) target(%dma_start3A_342 : memref<10112x128xf32, #tpu.memory_space<vmem_shared>>) offsets(%dma_start3A_339 : memref<80xi32, #tpu.memory_space<vmem>>) semaphore(%arg16 : memref<!tpu.dma_semaphore, #tpu.memory_space<semaphore_mem>>) {add = true}
      %sub3A_343 = arith.constant 1 : i32
      %sub3A_344 = arith.subi %add3A_330, %sub3A_343 : i32
      %dma_wait3A_345 = arith.constant 0 : i32
      %dma_wait3A_346 = tpu.memref_slice %arg8[%sub3A_344, %dma_wait3A_345] : memref<64x80xi32, #tpu.memory_space<vmem>> -> memref<1x80xi32, #tpu.memory_space<vmem>>
      %dma_wait3A_347 = tpu.memref_squeeze %dma_wait3A_346 : memref<1x80xi32, #tpu.memory_space<vmem>> -> memref<80xi32, #tpu.memory_space<vmem>>
      %dma_wait3A_348 = arith.constant 0 : i32
      %dma_wait3A_349 = arith.constant 0 : i32
      %dma_wait3A_350 = tpu.memref_slice %arg12[%dma_wait3A_348, %dma_wait3A_349] : memref<10112x128xf32, #tpu.memory_space<vmem_shared>> -> memref<10112x128xf32, #tpu.memory_space<vmem_shared>>
      tpu.wait_indirect_dma semaphore(%arg18 : memref<!tpu.dma_semaphore, #tpu.memory_space<semaphore_mem>>) src(%arg11 : memref<80x128xf32, #tpu.memory_space<vmem>>) dst(%dma_wait3A_350 : memref<10112x128xf32, #tpu.memory_space<vmem_shared>>)
      %add3A_351 = arith.constant 2 : i32
      %add3A_352 = arith.addi %add3A_330, %add3A_351 : i32
      %dma_start3A_353 = arith.constant 0 : i32
      %dma_start3A_354 = tpu.memref_slice %arg7[%add3A_352, %dma_start3A_353] : memref<64x80xi32, #tpu.memory_space<vmem>> -> memref<1x80xi32, #tpu.memory_space<vmem>>
      %dma_start3A_355 = tpu.memref_squeeze %dma_start3A_354 : memref<1x80xi32, #tpu.memory_space<vmem>> -> memref<80xi32, #tpu.memory_space<vmem>>
      %dma_start3A_356 = arith.constant 0 : i32
      %dma_start3A_357 = arith.constant 0 : i32
      %dma_start3A_358 = tpu.memref_slice %arg2[%dma_start3A_356, %dma_start3A_357] : memref<10000x128xf32, #tpu.memory_space<hbm>> -> memref<10000x128xf32, #tpu.memory_space<hbm>>
      tpu.enqueue_indirect_dma source(%dma_start3A_358 : memref<10000x128xf32, #tpu.memory_space<hbm>>) target(%arg11 : memref<80x128xf32, #tpu.memory_space<vmem>>) offsets(%dma_start3A_355 : memref<80xi32, #tpu.memory_space<vmem>>) semaphore(%arg15 : memref<!tpu.dma_semaphore, #tpu.memory_space<semaphore_mem>>)
    }
    %scan3A_48 = arith.constant 20 : i32
    %dma_wait3A_49 = arith.constant 61 : i32
    %dma_wait3A_50 = arith.constant 0 : i32
    %dma_wait3A_51 = tpu.memref_slice %arg7[%dma_wait3A_49, %dma_wait3A_50] : memref<64x80xi32, #tpu.memory_space<vmem>> -> memref<1x80xi32, #tpu.memory_space<vmem>>
    %dma_wait3A_52 = tpu.memref_squeeze %dma_wait3A_51 : memref<1x80xi32, #tpu.memory_space<vmem>> -> memref<80xi32, #tpu.memory_space<vmem>>
    %dma_wait3A_53 = arith.constant 0 : i32
    %dma_wait3A_54 = arith.constant 0 : i32
    %dma_wait3A_55 = tpu.memref_slice %arg2[%dma_wait3A_53, %dma_wait3A_54] : memref<10000x128xf32, #tpu.memory_space<hbm>> -> memref<10000x128xf32, #tpu.memory_space<hbm>>
    tpu.wait_indirect_dma semaphore(%arg14 : memref<!tpu.dma_semaphore, #tpu.memory_space<semaphore_mem>>) src(%dma_wait3A_55 : memref<10000x128xf32, #tpu.memory_space<hbm>>) dst(%arg10 : memref<80x128xf32, #tpu.memory_space<vmem>>)
    %dma_start3A_56 = arith.constant 61 : i32
    %dma_start3A_57 = arith.constant 0 : i32
    %dma_start3A_58 = tpu.memref_slice %arg8[%dma_start3A_56, %dma_start3A_57] : memref<64x80xi32, #tpu.memory_space<vmem>> -> memref<1x80xi32, #tpu.memory_space<vmem>>
    %dma_start3A_59 = tpu.memref_squeeze %dma_start3A_58 : memref<1x80xi32, #tpu.memory_space<vmem>> -> memref<80xi32, #tpu.memory_space<vmem>>
    %dma_start3A_60 = arith.constant 0 : i32
    %dma_start3A_61 = arith.constant 0 : i32
    %dma_start3A_62 = tpu.memref_slice %arg12[%dma_start3A_60, %dma_start3A_61] : memref<10112x128xf32, #tpu.memory_space<vmem_shared>> -> memref<10112x128xf32, #tpu.memory_space<vmem_shared>>
    tpu.enqueue_indirect_dma source(%arg10 : memref<80x128xf32, #tpu.memory_space<vmem>>) target(%dma_start3A_62 : memref<10112x128xf32, #tpu.memory_space<vmem_shared>>) offsets(%dma_start3A_59 : memref<80xi32, #tpu.memory_space<vmem>>) semaphore(%arg17 : memref<!tpu.dma_semaphore, #tpu.memory_space<semaphore_mem>>) {add = true}
    %dma_wait3A_63 = arith.constant 60 : i32
    %dma_wait3A_64 = arith.constant 0 : i32
    %dma_wait3A_65 = tpu.memref_slice %arg8[%dma_wait3A_63, %dma_wait3A_64] : memref<64x80xi32, #tpu.memory_space<vmem>> -> memref<1x80xi32, #tpu.memory_space<vmem>>
    %dma_wait3A_66 = tpu.memref_squeeze %dma_wait3A_65 : memref<1x80xi32, #tpu.memory_space<vmem>> -> memref<80xi32, #tpu.memory_space<vmem>>
    %dma_wait3A_67 = arith.constant 0 : i32
    %dma_wait3A_68 = arith.constant 0 : i32
    %dma_wait3A_69 = tpu.memref_slice %arg12[%dma_wait3A_67, %dma_wait3A_68] : memref<10112x128xf32, #tpu.memory_space<vmem_shared>> -> memref<10112x128xf32, #tpu.memory_space<vmem_shared>>
    tpu.wait_indirect_dma semaphore(%arg16 : memref<!tpu.dma_semaphore, #tpu.memory_space<semaphore_mem>>) src(%arg9 : memref<80x128xf32, #tpu.memory_space<vmem>>) dst(%dma_wait3A_69 : memref<10112x128xf32, #tpu.memory_space<vmem_shared>>)
    %dma_start3A_70 = arith.constant 63 : i32
    %dma_start3A_71 = arith.constant 0 : i32
    %dma_start3A_72 = tpu.memref_slice %arg7[%dma_start3A_70, %dma_start3A_71] : memref<64x80xi32, #tpu.memory_space<vmem>> -> memref<1x80xi32, #tpu.memory_space<vmem>>
    %dma_start3A_73 = tpu.memref_squeeze %dma_start3A_72 : memref<1x80xi32, #tpu.memory_space<vmem>> -> memref<80xi32, #tpu.memory_space<vmem>>
    %dma_start3A_74 = arith.constant 0 : i32
    %dma_start3A_75 = arith.constant 0 : i32
    %dma_start3A_76 = tpu.memref_slice %arg2[%dma_start3A_74, %dma_start3A_75] : memref<10000x128xf32, #tpu.memory_space<hbm>> -> memref<10000x128xf32, #tpu.memory_space<hbm>>
    tpu.enqueue_indirect_dma source(%dma_start3A_76 : memref<10000x128xf32, #tpu.memory_space<hbm>>) target(%arg9 : memref<80x128xf32, #tpu.memory_space<vmem>>) offsets(%dma_start3A_73 : memref<80xi32, #tpu.memory_space<vmem>>) semaphore(%arg13 : memref<!tpu.dma_semaphore, #tpu.memory_space<semaphore_mem>>)
    %dma_wait3A_77 = arith.constant 62 : i32
    %dma_wait3A_78 = arith.constant 0 : i32
    %dma_wait3A_79 = tpu.memref_slice %arg7[%dma_wait3A_77, %dma_wait3A_78] : memref<64x80xi32, #tpu.memory_space<vmem>> -> memref<1x80xi32, #tpu.memory_space<vmem>>
    %dma_wait3A_80 = tpu.memref_squeeze %dma_wait3A_79 : memref<1x80xi32, #tpu.memory_space<vmem>> -> memref<80xi32, #tpu.memory_space<vmem>>
    %dma_wait3A_81 = arith.constant 0 : i32
    %dma_wait3A_82 = arith.constant 0 : i32
    %dma_wait3A_83 = tpu.memref_slice %arg2[%dma_wait3A_81, %dma_wait3A_82] : memref<10000x128xf32, #tpu.memory_space<hbm>> -> memref<10000x128xf32, #tpu.memory_space<hbm>>
    tpu.wait_indirect_dma semaphore(%arg15 : memref<!tpu.dma_semaphore, #tpu.memory_space<semaphore_mem>>) src(%dma_wait3A_83 : memref<10000x128xf32, #tpu.memory_space<hbm>>) dst(%arg11 : memref<80x128xf32, #tpu.memory_space<vmem>>)
    %dma_start3A_84 = arith.constant 62 : i32
    %dma_start3A_85 = arith.constant 0 : i32
    %dma_start3A_86 = tpu.memref_slice %arg8[%dma_start3A_84, %dma_start3A_85] : memref<64x80xi32, #tpu.memory_space<vmem>> -> memref<1x80xi32, #tpu.memory_space<vmem>>
    %dma_start3A_87 = tpu.memref_squeeze %dma_start3A_86 : memref<1x80xi32, #tpu.memory_space<vmem>> -> memref<80xi32, #tpu.memory_space<vmem>>
    %dma_start3A_88 = arith.constant 0 : i32
    %dma_start3A_89 = arith.constant 0 : i32
    %dma_start3A_90 = tpu.memref_slice %arg12[%dma_start3A_88, %dma_start3A_89] : memref<10112x128xf32, #tpu.memory_space<vmem_shared>> -> memref<10112x128xf32, #tpu.memory_space<vmem_shared>>
    tpu.enqueue_indirect_dma source(%arg11 : memref<80x128xf32, #tpu.memory_space<vmem>>) target(%dma_start3A_90 : memref<10112x128xf32, #tpu.memory_space<vmem_shared>>) offsets(%dma_start3A_87 : memref<80xi32, #tpu.memory_space<vmem>>) semaphore(%arg18 : memref<!tpu.dma_semaphore, #tpu.memory_space<semaphore_mem>>) {add = true}
    %dma_wait3A_91 = arith.constant 61 : i32
    %dma_wait3A_92 = arith.constant 0 : i32
    %dma_wait3A_93 = tpu.memref_slice %arg8[%dma_wait3A_91, %dma_wait3A_92] : memref<64x80xi32, #tpu.memory_space<vmem>> -> memref<1x80xi32, #tpu.memory_space<vmem>>
    %dma_wait3A_94 = tpu.memref_squeeze %dma_wait3A_93 : memref<1x80xi32, #tpu.memory_space<vmem>> -> memref<80xi32, #tpu.memory_space<vmem>>
    %dma_wait3A_95 = arith.constant 0 : i32
    %dma_wait3A_96 = arith.constant 0 : i32
    %dma_wait3A_97 = tpu.memref_slice %arg12[%dma_wait3A_95, %dma_wait3A_96] : memref<10112x128xf32, #tpu.memory_space<vmem_shared>> -> memref<10112x128xf32, #tpu.memory_space<vmem_shared>>
    tpu.wait_indirect_dma semaphore(%arg17 : memref<!tpu.dma_semaphore, #tpu.memory_space<semaphore_mem>>) src(%arg10 : memref<80x128xf32, #tpu.memory_space<vmem>>) dst(%dma_wait3A_97 : memref<10112x128xf32, #tpu.memory_space<vmem_shared>>)
    %dma_wait3A_98 = arith.constant 63 : i32
    %dma_wait3A_99 = arith.constant 0 : i32
    %dma_wait3A_100 = tpu.memref_slice %arg7[%dma_wait3A_98, %dma_wait3A_99] : memref<64x80xi32, #tpu.memory_space<vmem>> -> memref<1x80xi32, #tpu.memory_space<vmem>>
    %dma_wait3A_101 = tpu.memref_squeeze %dma_wait3A_100 : memref<1x80xi32, #tpu.memory_space<vmem>> -> memref<80xi32, #tpu.memory_space<vmem>>
    %dma_wait3A_102 = arith.constant 0 : i32
    %dma_wait3A_103 = arith.constant 0 : i32
    %dma_wait3A_104 = tpu.memref_slice %arg2[%dma_wait3A_102, %dma_wait3A_103] : memref<10000x128xf32, #tpu.memory_space<hbm>> -> memref<10000x128xf32, #tpu.memory_space<hbm>>
    tpu.wait_indirect_dma semaphore(%arg13 : memref<!tpu.dma_semaphore, #tpu.memory_space<semaphore_mem>>) src(%dma_wait3A_104 : memref<10000x128xf32, #tpu.memory_space<hbm>>) dst(%arg9 : memref<80x128xf32, #tpu.memory_space<vmem>>)
    %dma_start3A_105 = arith.constant 63 : i32
    %dma_start3A_106 = arith.constant 0 : i32
    %dma_start3A_107 = tpu.memref_slice %arg8[%dma_start3A_105, %dma_start3A_106] : memref<64x80xi32, #tpu.memory_space<vmem>> -> memref<1x80xi32, #tpu.memory_space<vmem>>
    %dma_start3A_108 = tpu.memref_squeeze %dma_start3A_107 : memref<1x80xi32, #tpu.memory_space<vmem>> -> memref<80xi32, #tpu.memory_space<vmem>>
    %dma_start3A_109 = arith.constant 0 : i32
    %dma_start3A_110 = arith.constant 0 : i32
    %dma_start3A_111 = tpu.memref_slice %arg12[%dma_start3A_109, %dma_start3A_110] : memref<10112x128xf32, #tpu.memory_space<vmem_shared>> -> memref<10112x128xf32, #tpu.memory_space<vmem_shared>>
    tpu.enqueue_indirect_dma source(%arg9 : memref<80x128xf32, #tpu.memory_space<vmem>>) target(%dma_start3A_111 : memref<10112x128xf32, #tpu.memory_space<vmem_shared>>) offsets(%dma_start3A_108 : memref<80xi32, #tpu.memory_space<vmem>>) semaphore(%arg16 : memref<!tpu.dma_semaphore, #tpu.memory_space<semaphore_mem>>) {add = true}
    %dma_wait3A_112 = arith.constant 62 : i32
    %dma_wait3A_113 = arith.constant 0 : i32
    %dma_wait3A_114 = tpu.memref_slice %arg8[%dma_wait3A_112, %dma_wait3A_113] : memref<64x80xi32, #tpu.memory_space<vmem>> -> memref<1x80xi32, #tpu.memory_space<vmem>>
    %dma_wait3A_115 = tpu.memref_squeeze %dma_wait3A_114 : memref<1x80xi32, #tpu.memory_space<vmem>> -> memref<80xi32, #tpu.memory_space<vmem>>
    %dma_wait3A_116 = arith.constant 0 : i32
    %dma_wait3A_117 = arith.constant 0 : i32
    %dma_wait3A_118 = tpu.memref_slice %arg12[%dma_wait3A_116, %dma_wait3A_117] : memref<10112x128xf32, #tpu.memory_space<vmem_shared>> -> memref<10112x128xf32, #tpu.memory_space<vmem_shared>>
    tpu.wait_indirect_dma semaphore(%arg18 : memref<!tpu.dma_semaphore, #tpu.memory_space<semaphore_mem>>) src(%arg11 : memref<80x128xf32, #tpu.memory_space<vmem>>) dst(%dma_wait3A_118 : memref<10112x128xf32, #tpu.memory_space<vmem_shared>>)
    %dma_wait3A_119 = arith.constant 63 : i32
    %dma_wait3A_120 = arith.constant 0 : i32
    %dma_wait3A_121 = tpu.memref_slice %arg8[%dma_wait3A_119, %dma_wait3A_120] : memref<64x80xi32, #tpu.memory_space<vmem>> -> memref<1x80xi32, #tpu.memory_space<vmem>>
    %dma_wait3A_122 = tpu.memref_squeeze %dma_wait3A_121 : memref<1x80xi32, #tpu.memory_space<vmem>> -> memref<80xi32, #tpu.memory_space<vmem>>
    %dma_wait3A_123 = arith.constant 0 : i32
    %dma_wait3A_124 = arith.constant 0 : i32
    %dma_wait3A_125 = tpu.memref_slice %arg12[%dma_wait3A_123, %dma_wait3A_124] : memref<10112x128xf32, #tpu.memory_space<vmem_shared>> -> memref<10112x128xf32, #tpu.memory_space<vmem_shared>>
    tpu.wait_indirect_dma semaphore(%arg16 : memref<!tpu.dma_semaphore, #tpu.memory_space<semaphore_mem>>) src(%arg9 : memref<80x128xf32, #tpu.memory_space<vmem>>) dst(%dma_wait3A_125 : memref<10112x128xf32, #tpu.memory_space<vmem_shared>>)
    %convert_element_type3A_126 = arith.extui %eq3A_3 : i1 to i32
    %cond3A_127 = arith.constant 0 : i32
    %cond3A_128 = arith.cmpi ne, %convert_element_type3A_126, %cond3A_127 : i32
    scf.if %cond3A_128 {
      %run_scoped3A = arith.constant 0 : i32
      "tpu.region"() ({
        %run_scoped3A_258 = tpu.sem_alloc : memref<!tpu.dma_semaphore, #tpu.memory_space<semaphore_mem>>
        %dma_start3A_259 = arith.constant 64 : i32
        %dma_start3A_260 = arith.constant 0 : i32
        %dma_start3A_261 = tpu.memref_slice %arg4[%run_scoped3A, %dma_start3A_259, %dma_start3A_260] : memref<2x128x80xi32, #tpu.memory_space<hbm>> -> memref<1x64x80xi32, #tpu.memory_space<hbm>>
        %dma_start3A_262 = tpu.memref_squeeze %dma_start3A_261 : memref<1x64x80xi32, #tpu.memory_space<hbm>> -> memref<64x80xi32, #tpu.memory_space<hbm>>
        %dma_start3A_263 = arith.constant 64 : i32
        %dma_start3A_264 = arith.constant 0 : i32
        %dma_start3A_265 = tpu.memref_slice %arg4[%run_scoped3A, %dma_start3A_263, %dma_start3A_264] : memref<2x128x80xi32, #tpu.memory_space<hbm>> -> memref<1x64x80xi32, #tpu.memory_space<hbm>>
        %dma_start3A_266 = tpu.memref_squeeze %dma_start3A_265 : memref<1x64x80xi32, #tpu.memory_space<hbm>> -> memref<64x80xi32, #tpu.memory_space<hbm>>
        tpu.enqueue_dma source(%dma_start3A_266 : memref<64x80xi32, #tpu.memory_space<hbm>>) target(%arg7 : memref<64x80xi32, #tpu.memory_space<vmem>>) target_semaphore(%run_scoped3A_258 : memref<!tpu.dma_semaphore, #tpu.memory_space<semaphore_mem>>)
        %dma_wait3A_267 = arith.constant 64 : i32
        %dma_wait3A_268 = arith.constant 0 : i32
        %dma_wait3A_269 = tpu.memref_slice %arg4[%run_scoped3A, %dma_wait3A_267, %dma_wait3A_268] : memref<2x128x80xi32, #tpu.memory_space<hbm>> -> memref<1x64x80xi32, #tpu.memory_space<hbm>>
        %dma_wait3A_270 = tpu.memref_squeeze %dma_wait3A_269 : memref<1x64x80xi32, #tpu.memory_space<hbm>> -> memref<64x80xi32, #tpu.memory_space<hbm>>
        %dma_wait3A_271 = arith.constant 64 : i32
        %dma_wait3A_272 = arith.constant 0 : i32
        %dma_wait3A_273 = tpu.memref_slice %arg4[%run_scoped3A, %dma_wait3A_271, %dma_wait3A_272] : memref<2x128x80xi32, #tpu.memory_space<hbm>> -> memref<1x64x80xi32, #tpu.memory_space<hbm>>
        %dma_wait3A_274 = tpu.memref_squeeze %dma_wait3A_273 : memref<1x64x80xi32, #tpu.memory_space<hbm>> -> memref<64x80xi32, #tpu.memory_space<hbm>>
        tpu.wait_dma2 semaphore(%run_scoped3A_258 : memref<!tpu.dma_semaphore, #tpu.memory_space<semaphore_mem>>) src(%dma_wait3A_274 : memref<64x80xi32, #tpu.memory_space<hbm>>) dst(%arg7 : memref<64x80xi32, #tpu.memory_space<vmem>>)
        tpu.yield
      }) : () -> ()
      %run_scoped3A_257 = arith.constant 1 : i32
      "tpu.region"() ({
        %run_scoped3A_258 = tpu.sem_alloc : memref<!tpu.dma_semaphore, #tpu.memory_space<semaphore_mem>>
        %dma_start3A_259 = arith.constant 64 : i32
        %dma_start3A_260 = arith.constant 0 : i32
        %dma_start3A_261 = tpu.memref_slice %arg4[%run_scoped3A_257, %dma_start3A_259, %dma_start3A_260] : memref<2x128x80xi32, #tpu.memory_space<hbm>> -> memref<1x64x80xi32, #tpu.memory_space<hbm>>
        %dma_start3A_262 = tpu.memref_squeeze %dma_start3A_261 : memref<1x64x80xi32, #tpu.memory_space<hbm>> -> memref<64x80xi32, #tpu.memory_space<hbm>>
        %dma_start3A_263 = arith.constant 64 : i32
        %dma_start3A_264 = arith.constant 0 : i32
        %dma_start3A_265 = tpu.memref_slice %arg4[%run_scoped3A_257, %dma_start3A_263, %dma_start3A_264] : memref<2x128x80xi32, #tpu.memory_space<hbm>> -> memref<1x64x80xi32, #tpu.memory_space<hbm>>
        %dma_start3A_266 = tpu.memref_squeeze %dma_start3A_265 : memref<1x64x80xi32, #tpu.memory_space<hbm>> -> memref<64x80xi32, #tpu.memory_space<hbm>>
        tpu.enqueue_dma source(%dma_start3A_266 : memref<64x80xi32, #tpu.memory_space<hbm>>) target(%arg8 : memref<64x80xi32, #tpu.memory_space<vmem>>) target_semaphore(%run_scoped3A_258 : memref<!tpu.dma_semaphore, #tpu.memory_space<semaphore_mem>>)
        %dma_wait3A_267 = arith.constant 64 : i32
        %dma_wait3A_268 = arith.constant 0 : i32
        %dma_wait3A_269 = tpu.memref_slice %arg4[%run_scoped3A_257, %dma_wait3A_267, %dma_wait3A_268] : memref<2x128x80xi32, #tpu.memory_space<hbm>> -> memref<1x64x80xi32, #tpu.memory_space<hbm>>
        %dma_wait3A_270 = tpu.memref_squeeze %dma_wait3A_269 : memref<1x64x80xi32, #tpu.memory_space<hbm>> -> memref<64x80xi32, #tpu.memory_space<hbm>>
        %dma_wait3A_271 = arith.constant 64 : i32
        %dma_wait3A_272 = arith.constant 0 : i32
        %dma_wait3A_273 = tpu.memref_slice %arg4[%run_scoped3A_257, %dma_wait3A_271, %dma_wait3A_272] : memref<2x128x80xi32, #tpu.memory_space<hbm>> -> memref<1x64x80xi32, #tpu.memory_space<hbm>>
        %dma_wait3A_274 = tpu.memref_squeeze %dma_wait3A_273 : memref<1x64x80xi32, #tpu.memory_space<hbm>> -> memref<64x80xi32, #tpu.memory_space<hbm>>
        tpu.wait_dma2 semaphore(%run_scoped3A_258 : memref<!tpu.dma_semaphore, #tpu.memory_space<semaphore_mem>>) src(%dma_wait3A_274 : memref<64x80xi32, #tpu.memory_space<hbm>>) dst(%arg8 : memref<64x80xi32, #tpu.memory_space<vmem>>)
        tpu.yield
      }) : () -> ()
    } else {
    }
    %not3A_129 = arith.constant true
    %not3A_130 = arith.xori %eq3A_3, %not3A_129 : i1
    %convert_element_type3A_131 = arith.extui %not3A_130 : i1 to i32
    %cond3A_132 = arith.constant 0 : i32
    %cond3A_133 = arith.cmpi ne, %convert_element_type3A_131, %cond3A_132 : i32
    scf.if %cond3A_133 {
      %add3A_257 = arith.constant 64 : i32
      %add3A_258 = arith.addi %mul3A_2, %add3A_257 : i32
      %run_scoped3A = arith.constant 0 : i32
      "tpu.region"() ({
        %run_scoped3A_262 = tpu.sem_alloc : memref<!tpu.dma_semaphore, #tpu.memory_space<semaphore_mem>>
        %dma_start3A_263 = arith.constant 0 : i32
        %dma_start3A_264 = tpu.memref_slice %arg3[%run_scoped3A, %add3A_258, %dma_start3A_263] : memref<2x4000x80xi32, #tpu.memory_space<hbm>> -> memref<1x64x80xi32, #tpu.memory_space<hbm>>
        %dma_start3A_265 = tpu.memref_squeeze %dma_start3A_264 : memref<1x64x80xi32, #tpu.memory_space<hbm>> -> memref<64x80xi32, #tpu.memory_space<hbm>>
        %dma_start3A_266 = arith.constant 0 : i32
        %dma_start3A_267 = tpu.memref_slice %arg3[%run_scoped3A, %add3A_258, %dma_start3A_266] : memref<2x4000x80xi32, #tpu.memory_space<hbm>> -> memref<1x64x80xi32, #tpu.memory_space<hbm>>
        %dma_start3A_268 = tpu.memref_squeeze %dma_start3A_267 : memref<1x64x80xi32, #tpu.memory_space<hbm>> -> memref<64x80xi32, #tpu.memory_space<hbm>>
        tpu.enqueue_dma source(%dma_start3A_268 : memref<64x80xi32, #tpu.memory_space<hbm>>) target(%arg7 : memref<64x80xi32, #tpu.memory_space<vmem>>) target_semaphore(%run_scoped3A_262 : memref<!tpu.dma_semaphore, #tpu.memory_space<semaphore_mem>>)
        %dma_wait3A_269 = arith.constant 0 : i32
        %dma_wait3A_270 = tpu.memref_slice %arg3[%run_scoped3A, %add3A_258, %dma_wait3A_269] : memref<2x4000x80xi32, #tpu.memory_space<hbm>> -> memref<1x64x80xi32, #tpu.memory_space<hbm>>
        %dma_wait3A_271 = tpu.memref_squeeze %dma_wait3A_270 : memref<1x64x80xi32, #tpu.memory_space<hbm>> -> memref<64x80xi32, #tpu.memory_space<hbm>>
        %dma_wait3A_272 = arith.constant 0 : i32
        %dma_wait3A_273 = tpu.memref_slice %arg3[%run_scoped3A, %add3A_258, %dma_wait3A_272] : memref<2x4000x80xi32, #tpu.memory_space<hbm>> -> memref<1x64x80xi32, #tpu.memory_space<hbm>>
        %dma_wait3A_274 = tpu.memref_squeeze %dma_wait3A_273 : memref<1x64x80xi32, #tpu.memory_space<hbm>> -> memref<64x80xi32, #tpu.memory_space<hbm>>
        tpu.wait_dma2 semaphore(%run_scoped3A_262 : memref<!tpu.dma_semaphore, #tpu.memory_space<semaphore_mem>>) src(%dma_wait3A_274 : memref<64x80xi32, #tpu.memory_space<hbm>>) dst(%arg7 : memref<64x80xi32, #tpu.memory_space<vmem>>)
        tpu.yield
      }) : () -> ()
      %add3A_259 = arith.constant 64 : i32
      %add3A_260 = arith.addi %mul3A_2, %add3A_259 : i32
      %run_scoped3A_261 = arith.constant 1 : i32
      "tpu.region"() ({
        %run_scoped3A_262 = tpu.sem_alloc : memref<!tpu.dma_semaphore, #tpu.memory_space<semaphore_mem>>
        %dma_start3A_263 = arith.constant 0 : i32
        %dma_start3A_264 = tpu.memref_slice %arg3[%run_scoped3A_261, %add3A_260, %dma_start3A_263] : memref<2x4000x80xi32, #tpu.memory_space<hbm>> -> memref<1x64x80xi32, #tpu.memory_space<hbm>>
        %dma_start3A_265 = tpu.memref_squeeze %dma_start3A_264 : memref<1x64x80xi32, #tpu.memory_space<hbm>> -> memref<64x80xi32, #tpu.memory_space<hbm>>
        %dma_start3A_266 = arith.constant 0 : i32
        %dma_start3A_267 = tpu.memref_slice %arg3[%run_scoped3A_261, %add3A_260, %dma_start3A_266] : memref<2x4000x80xi32, #tpu.memory_space<hbm>> -> memref<1x64x80xi32, #tpu.memory_space<hbm>>
        %dma_start3A_268 = tpu.memref_squeeze %dma_start3A_267 : memref<1x64x80xi32, #tpu.memory_space<hbm>> -> memref<64x80xi32, #tpu.memory_space<hbm>>
        tpu.enqueue_dma source(%dma_start3A_268 : memref<64x80xi32, #tpu.memory_space<hbm>>) target(%arg8 : memref<64x80xi32, #tpu.memory_space<vmem>>) target_semaphore(%run_scoped3A_262 : memref<!tpu.dma_semaphore, #tpu.memory_space<semaphore_mem>>)
        %dma_wait3A_269 = arith.constant 0 : i32
        %dma_wait3A_270 = tpu.memref_slice %arg3[%run_scoped3A_261, %add3A_260, %dma_wait3A_269] : memref<2x4000x80xi32, #tpu.memory_space<hbm>> -> memref<1x64x80xi32, #tpu.memory_space<hbm>>
        %dma_wait3A_271 = tpu.memref_squeeze %dma_wait3A_270 : memref<1x64x80xi32, #tpu.memory_space<hbm>> -> memref<64x80xi32, #tpu.memory_space<hbm>>
        %dma_wait3A_272 = arith.constant 0 : i32
        %dma_wait3A_273 = tpu.memref_slice %arg3[%run_scoped3A_261, %add3A_260, %dma_wait3A_272] : memref<2x4000x80xi32, #tpu.memory_space<hbm>> -> memref<1x64x80xi32, #tpu.memory_space<hbm>>
        %dma_wait3A_274 = tpu.memref_squeeze %dma_wait3A_273 : memref<1x64x80xi32, #tpu.memory_space<hbm>> -> memref<64x80xi32, #tpu.memory_space<hbm>>
        tpu.wait_dma2 semaphore(%run_scoped3A_262 : memref<!tpu.dma_semaphore, #tpu.memory_space<semaphore_mem>>) src(%dma_wait3A_274 : memref<64x80xi32, #tpu.memory_space<hbm>>) dst(%arg8 : memref<64x80xi32, #tpu.memory_space<vmem>>)
        tpu.yield
      }) : () -> ()
    } else {
    }
    %dma_start3A_134 = arith.constant 0 : i32
    %dma_start3A_135 = arith.constant 0 : i32
    %dma_start3A_136 = tpu.memref_slice %arg7[%dma_start3A_134, %dma_start3A_135] : memref<64x80xi32, #tpu.memory_space<vmem>> -> memref<1x80xi32, #tpu.memory_space<vmem>>
    %dma_start3A_137 = tpu.memref_squeeze %dma_start3A_136 : memref<1x80xi32, #tpu.memory_space<vmem>> -> memref<80xi32, #tpu.memory_space<vmem>>
    %dma_start3A_138 = arith.constant 0 : i32
    %dma_start3A_139 = arith.constant 0 : i32
    %dma_start3A_140 = tpu.memref_slice %arg2[%dma_start3A_138, %dma_start3A_139] : memref<10000x128xf32, #tpu.memory_space<hbm>> -> memref<10000x128xf32, #tpu.memory_space<hbm>>
    tpu.enqueue_indirect_dma source(%dma_start3A_140 : memref<10000x128xf32, #tpu.memory_space<hbm>>) target(%arg9 : memref<80x128xf32, #tpu.memory_space<vmem>>) offsets(%dma_start3A_137 : memref<80xi32, #tpu.memory_space<vmem>>) semaphore(%arg13 : memref<!tpu.dma_semaphore, #tpu.memory_space<semaphore_mem>>)
    %dma_start3A_141 = arith.constant 1 : i32
    %dma_start3A_142 = arith.constant 0 : i32
    %dma_start3A_143 = tpu.memref_slice %arg7[%dma_start3A_141, %dma_start3A_142] : memref<64x80xi32, #tpu.memory_space<vmem>> -> memref<1x80xi32, #tpu.memory_space<vmem>>
    %dma_start3A_144 = tpu.memref_squeeze %dma_start3A_143 : memref<1x80xi32, #tpu.memory_space<vmem>> -> memref<80xi32, #tpu.memory_space<vmem>>
    %dma_start3A_145 = arith.constant 0 : i32
    %dma_start3A_146 = arith.constant 0 : i32
    %dma_start3A_147 = tpu.memref_slice %arg2[%dma_start3A_145, %dma_start3A_146] : memref<10000x128xf32, #tpu.memory_space<hbm>> -> memref<10000x128xf32, #tpu.memory_space<hbm>>
    tpu.enqueue_indirect_dma source(%dma_start3A_147 : memref<10000x128xf32, #tpu.memory_space<hbm>>) target(%arg10 : memref<80x128xf32, #tpu.memory_space<vmem>>) offsets(%dma_start3A_144 : memref<80xi32, #tpu.memory_space<vmem>>) semaphore(%arg14 : memref<!tpu.dma_semaphore, #tpu.memory_space<semaphore_mem>>)
    %dma_wait3A_148 = arith.constant 0 : i32
    %dma_wait3A_149 = arith.constant 0 : i32
    %dma_wait3A_150 = tpu.memref_slice %arg7[%dma_wait3A_148, %dma_wait3A_149] : memref<64x80xi32, #tpu.memory_space<vmem>> -> memref<1x80xi32, #tpu.memory_space<vmem>>
    %dma_wait3A_151 = tpu.memref_squeeze %dma_wait3A_150 : memref<1x80xi32, #tpu.memory_space<vmem>> -> memref<80xi32, #tpu.memory_space<vmem>>
    %dma_wait3A_152 = arith.constant 0 : i32
    %dma_wait3A_153 = arith.constant 0 : i32
    %dma_wait3A_154 = tpu.memref_slice %arg2[%dma_wait3A_152, %dma_wait3A_153] : memref<10000x128xf32, #tpu.memory_space<hbm>> -> memref<10000x128xf32, #tpu.memory_space<hbm>>
    tpu.wait_indirect_dma semaphore(%arg13 : memref<!tpu.dma_semaphore, #tpu.memory_space<semaphore_mem>>) src(%dma_wait3A_154 : memref<10000x128xf32, #tpu.memory_space<hbm>>) dst(%arg9 : memref<80x128xf32, #tpu.memory_space<vmem>>)
    %dma_start3A_155 = arith.constant 0 : i32
    %dma_start3A_156 = arith.constant 0 : i32
    %dma_start3A_157 = tpu.memref_slice %arg8[%dma_start3A_155, %dma_start3A_156] : memref<64x80xi32, #tpu.memory_space<vmem>> -> memref<1x80xi32, #tpu.memory_space<vmem>>
    %dma_start3A_158 = tpu.memref_squeeze %dma_start3A_157 : memref<1x80xi32, #tpu.memory_space<vmem>> -> memref<80xi32, #tpu.memory_space<vmem>>
    %dma_start3A_159 = arith.constant 0 : i32
    %dma_start3A_160 = arith.constant 0 : i32
    %dma_start3A_161 = tpu.memref_slice %arg12[%dma_start3A_159, %dma_start3A_160] : memref<10112x128xf32, #tpu.memory_space<vmem_shared>> -> memref<10112x128xf32, #tpu.memory_space<vmem_shared>>
    tpu.enqueue_indirect_dma source(%arg9 : memref<80x128xf32, #tpu.memory_space<vmem>>) target(%dma_start3A_161 : memref<10112x128xf32, #tpu.memory_space<vmem_shared>>) offsets(%dma_start3A_158 : memref<80xi32, #tpu.memory_space<vmem>>) semaphore(%arg16 : memref<!tpu.dma_semaphore, #tpu.memory_space<semaphore_mem>>) {add = true}
    %dma_start3A_162 = arith.constant 2 : i32
    %dma_start3A_163 = arith.constant 0 : i32
    %dma_start3A_164 = tpu.memref_slice %arg7[%dma_start3A_162, %dma_start3A_163] : memref<64x80xi32, #tpu.memory_space<vmem>> -> memref<1x80xi32, #tpu.memory_space<vmem>>
    %dma_start3A_165 = tpu.memref_squeeze %dma_start3A_164 : memref<1x80xi32, #tpu.memory_space<vmem>> -> memref<80xi32, #tpu.memory_space<vmem>>
    %dma_start3A_166 = arith.constant 0 : i32
    %dma_start3A_167 = arith.constant 0 : i32
    %dma_start3A_168 = tpu.memref_slice %arg2[%dma_start3A_166, %dma_start3A_167] : memref<10000x128xf32, #tpu.memory_space<hbm>> -> memref<10000x128xf32, #tpu.memory_space<hbm>>
    tpu.enqueue_indirect_dma source(%dma_start3A_168 : memref<10000x128xf32, #tpu.memory_space<hbm>>) target(%arg11 : memref<80x128xf32, #tpu.memory_space<vmem>>) offsets(%dma_start3A_165 : memref<80xi32, #tpu.memory_space<vmem>>) semaphore(%arg15 : memref<!tpu.dma_semaphore, #tpu.memory_space<semaphore_mem>>)
    %scan3A_169 = arith.constant 0 : i32
    %scan3A_170 = arith.constant 0 : i32
    %scan3A_171 = arith.constant 20 : i32
    %scan3A_172 = arith.addi %scan3A_170, %scan3A_171 : i32
    %scan3A_173 = arith.constant 1 : i32
    scf.for %scan3A_257 = %scan3A_170 to %scan3A_172 step %scan3A_173  : i32 {
      %mul3A_258 = arith.constant 3 : i32
      %mul3A_259 = arith.muli %mul3A_258, %scan3A_257 : i32
      %add3A_260 = arith.constant 1 : i32
      %add3A_261 = arith.addi %mul3A_259, %add3A_260 : i32
      %add3A_262 = arith.constant 0 : i32
      %add3A_263 = arith.addi %add3A_261, %add3A_262 : i32
      %dma_wait3A_264 = arith.constant 0 : i32
      %dma_wait3A_265 = tpu.memref_slice %arg7[%add3A_263, %dma_wait3A_264] : memref<64x80xi32, #tpu.memory_space<vmem>> -> memref<1x80xi32, #tpu.memory_space<vmem>>
      %dma_wait3A_266 = tpu.memref_squeeze %dma_wait3A_265 : memref<1x80xi32, #tpu.memory_space<vmem>> -> memref<80xi32, #tpu.memory_space<vmem>>
      %dma_wait3A_267 = arith.constant 0 : i32
      %dma_wait3A_268 = arith.constant 0 : i32
      %dma_wait3A_269 = tpu.memref_slice %arg2[%dma_wait3A_267, %dma_wait3A_268] : memref<10000x128xf32, #tpu.memory_space<hbm>> -> memref<10000x128xf32, #tpu.memory_space<hbm>>
      tpu.wait_indirect_dma semaphore(%arg14 : memref<!tpu.dma_semaphore, #tpu.memory_space<semaphore_mem>>) src(%dma_wait3A_269 : memref<10000x128xf32, #tpu.memory_space<hbm>>) dst(%arg10 : memref<80x128xf32, #tpu.memory_space<vmem>>)
      %dma_start3A_270 = arith.constant 0 : i32
      %dma_start3A_271 = tpu.memref_slice %arg8[%add3A_263, %dma_start3A_270] : memref<64x80xi32, #tpu.memory_space<vmem>> -> memref<1x80xi32, #tpu.memory_space<vmem>>
      %dma_start3A_272 = tpu.memref_squeeze %dma_start3A_271 : memref<1x80xi32, #tpu.memory_space<vmem>> -> memref<80xi32, #tpu.memory_space<vmem>>
      %dma_start3A_273 = arith.constant 0 : i32
      %dma_start3A_274 = arith.constant 0 : i32
      %dma_start3A_275 = tpu.memref_slice %arg12[%dma_start3A_273, %dma_start3A_274] : memref<10112x128xf32, #tpu.memory_space<vmem_shared>> -> memref<10112x128xf32, #tpu.memory_space<vmem_shared>>
      tpu.enqueue_indirect_dma source(%arg10 : memref<80x128xf32, #tpu.memory_space<vmem>>) target(%dma_start3A_275 : memref<10112x128xf32, #tpu.memory_space<vmem_shared>>) offsets(%dma_start3A_272 : memref<80xi32, #tpu.memory_space<vmem>>) semaphore(%arg17 : memref<!tpu.dma_semaphore, #tpu.memory_space<semaphore_mem>>) {add = true}
      %sub3A = arith.constant 1 : i32
      %sub3A_276 = arith.subi %add3A_263, %sub3A : i32
      %dma_wait3A_277 = arith.constant 0 : i32
      %dma_wait3A_278 = tpu.memref_slice %arg8[%sub3A_276, %dma_wait3A_277] : memref<64x80xi32, #tpu.memory_space<vmem>> -> memref<1x80xi32, #tpu.memory_space<vmem>>
      %dma_wait3A_279 = tpu.memref_squeeze %dma_wait3A_278 : memref<1x80xi32, #tpu.memory_space<vmem>> -> memref<80xi32, #tpu.memory_space<vmem>>
      %dma_wait3A_280 = arith.constant 0 : i32
      %dma_wait3A_281 = arith.constant 0 : i32
      %dma_wait3A_282 = tpu.memref_slice %arg12[%dma_wait3A_280, %dma_wait3A_281] : memref<10112x128xf32, #tpu.memory_space<vmem_shared>> -> memref<10112x128xf32, #tpu.memory_space<vmem_shared>>
      tpu.wait_indirect_dma semaphore(%arg16 : memref<!tpu.dma_semaphore, #tpu.memory_space<semaphore_mem>>) src(%arg9 : memref<80x128xf32, #tpu.memory_space<vmem>>) dst(%dma_wait3A_282 : memref<10112x128xf32, #tpu.memory_space<vmem_shared>>)
      %add3A_283 = arith.constant 2 : i32
      %add3A_284 = arith.addi %add3A_263, %add3A_283 : i32
      %dma_start3A_285 = arith.constant 0 : i32
      %dma_start3A_286 = tpu.memref_slice %arg7[%add3A_284, %dma_start3A_285] : memref<64x80xi32, #tpu.memory_space<vmem>> -> memref<1x80xi32, #tpu.memory_space<vmem>>
      %dma_start3A_287 = tpu.memref_squeeze %dma_start3A_286 : memref<1x80xi32, #tpu.memory_space<vmem>> -> memref<80xi32, #tpu.memory_space<vmem>>
      %dma_start3A_288 = arith.constant 0 : i32
      %dma_start3A_289 = arith.constant 0 : i32
      %dma_start3A_290 = tpu.memref_slice %arg2[%dma_start3A_288, %dma_start3A_289] : memref<10000x128xf32, #tpu.memory_space<hbm>> -> memref<10000x128xf32, #tpu.memory_space<hbm>>
      tpu.enqueue_indirect_dma source(%dma_start3A_290 : memref<10000x128xf32, #tpu.memory_space<hbm>>) target(%arg9 : memref<80x128xf32, #tpu.memory_space<vmem>>) offsets(%dma_start3A_287 : memref<80xi32, #tpu.memory_space<vmem>>) semaphore(%arg13 : memref<!tpu.dma_semaphore, #tpu.memory_space<semaphore_mem>>)
      %mul3A_291 = arith.constant 3 : i32
      %mul3A_292 = arith.muli %mul3A_291, %scan3A_257 : i32
      %add3A_293 = arith.constant 1 : i32
      %add3A_294 = arith.addi %mul3A_292, %add3A_293 : i32
      %add3A_295 = arith.constant 1 : i32
      %add3A_296 = arith.addi %add3A_294, %add3A_295 : i32
      %dma_wait3A_297 = arith.constant 0 : i32
      %dma_wait3A_298 = tpu.memref_slice %arg7[%add3A_296, %dma_wait3A_297] : memref<64x80xi32, #tpu.memory_space<vmem>> -> memref<1x80xi32, #tpu.memory_space<vmem>>
      %dma_wait3A_299 = tpu.memref_squeeze %dma_wait3A_298 : memref<1x80xi32, #tpu.memory_space<vmem>> -> memref<80xi32, #tpu.memory_space<vmem>>
      %dma_wait3A_300 = arith.constant 0 : i32
      %dma_wait3A_301 = arith.constant 0 : i32
      %dma_wait3A_302 = tpu.memref_slice %arg2[%dma_wait3A_300, %dma_wait3A_301] : memref<10000x128xf32, #tpu.memory_space<hbm>> -> memref<10000x128xf32, #tpu.memory_space<hbm>>
      tpu.wait_indirect_dma semaphore(%arg15 : memref<!tpu.dma_semaphore, #tpu.memory_space<semaphore_mem>>) src(%dma_wait3A_302 : memref<10000x128xf32, #tpu.memory_space<hbm>>) dst(%arg11 : memref<80x128xf32, #tpu.memory_space<vmem>>)
      %dma_start3A_303 = arith.constant 0 : i32
      %dma_start3A_304 = tpu.memref_slice %arg8[%add3A_296, %dma_start3A_303] : memref<64x80xi32, #tpu.memory_space<vmem>> -> memref<1x80xi32, #tpu.memory_space<vmem>>
      %dma_start3A_305 = tpu.memref_squeeze %dma_start3A_304 : memref<1x80xi32, #tpu.memory_space<vmem>> -> memref<80xi32, #tpu.memory_space<vmem>>
      %dma_start3A_306 = arith.constant 0 : i32
      %dma_start3A_307 = arith.constant 0 : i32
      %dma_start3A_308 = tpu.memref_slice %arg12[%dma_start3A_306, %dma_start3A_307] : memref<10112x128xf32, #tpu.memory_space<vmem_shared>> -> memref<10112x128xf32, #tpu.memory_space<vmem_shared>>
      tpu.enqueue_indirect_dma source(%arg11 : memref<80x128xf32, #tpu.memory_space<vmem>>) target(%dma_start3A_308 : memref<10112x128xf32, #tpu.memory_space<vmem_shared>>) offsets(%dma_start3A_305 : memref<80xi32, #tpu.memory_space<vmem>>) semaphore(%arg18 : memref<!tpu.dma_semaphore, #tpu.memory_space<semaphore_mem>>) {add = true}
      %sub3A_309 = arith.constant 1 : i32
      %sub3A_310 = arith.subi %add3A_296, %sub3A_309 : i32
      %dma_wait3A_311 = arith.constant 0 : i32
      %dma_wait3A_312 = tpu.memref_slice %arg8[%sub3A_310, %dma_wait3A_311] : memref<64x80xi32, #tpu.memory_space<vmem>> -> memref<1x80xi32, #tpu.memory_space<vmem>>
      %dma_wait3A_313 = tpu.memref_squeeze %dma_wait3A_312 : memref<1x80xi32, #tpu.memory_space<vmem>> -> memref<80xi32, #tpu.memory_space<vmem>>
      %dma_wait3A_314 = arith.constant 0 : i32
      %dma_wait3A_315 = arith.constant 0 : i32
      %dma_wait3A_316 = tpu.memref_slice %arg12[%dma_wait3A_314, %dma_wait3A_315] : memref<10112x128xf32, #tpu.memory_space<vmem_shared>> -> memref<10112x128xf32, #tpu.memory_space<vmem_shared>>
      tpu.wait_indirect_dma semaphore(%arg17 : memref<!tpu.dma_semaphore, #tpu.memory_space<semaphore_mem>>) src(%arg10 : memref<80x128xf32, #tpu.memory_space<vmem>>) dst(%dma_wait3A_316 : memref<10112x128xf32, #tpu.memory_space<vmem_shared>>)
      %add3A_317 = arith.constant 2 : i32
      %add3A_318 = arith.addi %add3A_296, %add3A_317 : i32
      %dma_start3A_319 = arith.constant 0 : i32
      %dma_start3A_320 = tpu.memref_slice %arg7[%add3A_318, %dma_start3A_319] : memref<64x80xi32, #tpu.memory_space<vmem>> -> memref<1x80xi32, #tpu.memory_space<vmem>>
      %dma_start3A_321 = tpu.memref_squeeze %dma_start3A_320 : memref<1x80xi32, #tpu.memory_space<vmem>> -> memref<80xi32, #tpu.memory_space<vmem>>
      %dma_start3A_322 = arith.constant 0 : i32
      %dma_start3A_323 = arith.constant 0 : i32
      %dma_start3A_324 = tpu.memref_slice %arg2[%dma_start3A_322, %dma_start3A_323] : memref<10000x128xf32, #tpu.memory_space<hbm>> -> memref<10000x128xf32, #tpu.memory_space<hbm>>
      tpu.enqueue_indirect_dma source(%dma_start3A_324 : memref<10000x128xf32, #tpu.memory_space<hbm>>) target(%arg10 : memref<80x128xf32, #tpu.memory_space<vmem>>) offsets(%dma_start3A_321 : memref<80xi32, #tpu.memory_space<vmem>>) semaphore(%arg14 : memref<!tpu.dma_semaphore, #tpu.memory_space<semaphore_mem>>)
      %mul3A_325 = arith.constant 3 : i32
      %mul3A_326 = arith.muli %mul3A_325, %scan3A_257 : i32
      %add3A_327 = arith.constant 1 : i32
      %add3A_328 = arith.addi %mul3A_326, %add3A_327 : i32
      %add3A_329 = arith.constant 2 : i32
      %add3A_330 = arith.addi %add3A_328, %add3A_329 : i32
      %dma_wait3A_331 = arith.constant 0 : i32
      %dma_wait3A_332 = tpu.memref_slice %arg7[%add3A_330, %dma_wait3A_331] : memref<64x80xi32, #tpu.memory_space<vmem>> -> memref<1x80xi32, #tpu.memory_space<vmem>>
      %dma_wait3A_333 = tpu.memref_squeeze %dma_wait3A_332 : memref<1x80xi32, #tpu.memory_space<vmem>> -> memref<80xi32, #tpu.memory_space<vmem>>
      %dma_wait3A_334 = arith.constant 0 : i32
      %dma_wait3A_335 = arith.constant 0 : i32
      %dma_wait3A_336 = tpu.memref_slice %arg2[%dma_wait3A_334, %dma_wait3A_335] : memref<10000x128xf32, #tpu.memory_space<hbm>> -> memref<10000x128xf32, #tpu.memory_space<hbm>>
      tpu.wait_indirect_dma semaphore(%arg13 : memref<!tpu.dma_semaphore, #tpu.memory_space<semaphore_mem>>) src(%dma_wait3A_336 : memref<10000x128xf32, #tpu.memory_space<hbm>>) dst(%arg9 : memref<80x128xf32, #tpu.memory_space<vmem>>)
      %dma_start3A_337 = arith.constant 0 : i32
      %dma_start3A_338 = tpu.memref_slice %arg8[%add3A_330, %dma_start3A_337] : memref<64x80xi32, #tpu.memory_space<vmem>> -> memref<1x80xi32, #tpu.memory_space<vmem>>
      %dma_start3A_339 = tpu.memref_squeeze %dma_start3A_338 : memref<1x80xi32, #tpu.memory_space<vmem>> -> memref<80xi32, #tpu.memory_space<vmem>>
      %dma_start3A_340 = arith.constant 0 : i32
      %dma_start3A_341 = arith.constant 0 : i32
      %dma_start3A_342 = tpu.memref_slice %arg12[%dma_start3A_340, %dma_start3A_341] : memref<10112x128xf32, #tpu.memory_space<vmem_shared>> -> memref<10112x128xf32, #tpu.memory_space<vmem_shared>>
      tpu.enqueue_indirect_dma source(%arg9 : memref<80x128xf32, #tpu.memory_space<vmem>>) target(%dma_start3A_342 : memref<10112x128xf32, #tpu.memory_space<vmem_shared>>) offsets(%dma_start3A_339 : memref<80xi32, #tpu.memory_space<vmem>>) semaphore(%arg16 : memref<!tpu.dma_semaphore, #tpu.memory_space<semaphore_mem>>) {add = true}
      %sub3A_343 = arith.constant 1 : i32
      %sub3A_344 = arith.subi %add3A_330, %sub3A_343 : i32
      %dma_wait3A_345 = arith.constant 0 : i32
      %dma_wait3A_346 = tpu.memref_slice %arg8[%sub3A_344, %dma_wait3A_345] : memref<64x80xi32, #tpu.memory_space<vmem>> -> memref<1x80xi32, #tpu.memory_space<vmem>>
      %dma_wait3A_347 = tpu.memref_squeeze %dma_wait3A_346 : memref<1x80xi32, #tpu.memory_space<vmem>> -> memref<80xi32, #tpu.memory_space<vmem>>
      %dma_wait3A_348 = arith.constant 0 : i32
      %dma_wait3A_349 = arith.constant 0 : i32
      %dma_wait3A_350 = tpu.memref_slice %arg12[%dma_wait3A_348, %dma_wait3A_349] : memref<10112x128xf32, #tpu.memory_space<vmem_shared>> -> memref<10112x128xf32, #tpu.memory_space<vmem_shared>>
      tpu.wait_indirect_dma semaphore(%arg18 : memref<!tpu.dma_semaphore, #tpu.memory_space<semaphore_mem>>) src(%arg11 : memref<80x128xf32, #tpu.memory_space<vmem>>) dst(%dma_wait3A_350 : memref<10112x128xf32, #tpu.memory_space<vmem_shared>>)
      %add3A_351 = arith.constant 2 : i32
      %add3A_352 = arith.addi %add3A_330, %add3A_351 : i32
      %dma_start3A_353 = arith.constant 0 : i32
      %dma_start3A_354 = tpu.memref_slice %arg7[%add3A_352, %dma_start3A_353] : memref<64x80xi32, #tpu.memory_space<vmem>> -> memref<1x80xi32, #tpu.memory_space<vmem>>
      %dma_start3A_355 = tpu.memref_squeeze %dma_start3A_354 : memref<1x80xi32, #tpu.memory_space<vmem>> -> memref<80xi32, #tpu.memory_space<vmem>>
      %dma_start3A_356 = arith.constant 0 : i32
      %dma_start3A_357 = arith.constant 0 : i32
      %dma_start3A_358 = tpu.memref_slice %arg2[%dma_start3A_356, %dma_start3A_357] : memref<10000x128xf32, #tpu.memory_space<hbm>> -> memref<10000x128xf32, #tpu.memory_space<hbm>>
      tpu.enqueue_indirect_dma source(%dma_start3A_358 : memref<10000x128xf32, #tpu.memory_space<hbm>>) target(%arg11 : memref<80x128xf32, #tpu.memory_space<vmem>>) offsets(%dma_start3A_355 : memref<80xi32, #tpu.memory_space<vmem>>) semaphore(%arg15 : memref<!tpu.dma_semaphore, #tpu.memory_space<semaphore_mem>>)
    }
    %scan3A_174 = arith.constant 20 : i32
    %dma_wait3A_175 = arith.constant 61 : i32
    %dma_wait3A_176 = arith.constant 0 : i32
    %dma_wait3A_177 = tpu.memref_slice %arg7[%dma_wait3A_175, %dma_wait3A_176] : memref<64x80xi32, #tpu.memory_space<vmem>> -> memref<1x80xi32, #tpu.memory_space<vmem>>
    %dma_wait3A_178 = tpu.memref_squeeze %dma_wait3A_177 : memref<1x80xi32, #tpu.memory_space<vmem>> -> memref<80xi32, #tpu.memory_space<vmem>>
    %dma_wait3A_179 = arith.constant 0 : i32
    %dma_wait3A_180 = arith.constant 0 : i32
    %dma_wait3A_181 = tpu.memref_slice %arg2[%dma_wait3A_179, %dma_wait3A_180] : memref<10000x128xf32, #tpu.memory_space<hbm>> -> memref<10000x128xf32, #tpu.memory_space<hbm>>
    tpu.wait_indirect_dma semaphore(%arg14 : memref<!tpu.dma_semaphore, #tpu.memory_space<semaphore_mem>>) src(%dma_wait3A_181 : memref<10000x128xf32, #tpu.memory_space<hbm>>) dst(%arg10 : memref<80x128xf32, #tpu.memory_space<vmem>>)
    %dma_start3A_182 = arith.constant 61 : i32
    %dma_start3A_183 = arith.constant 0 : i32
    %dma_start3A_184 = tpu.memref_slice %arg8[%dma_start3A_182, %dma_start3A_183] : memref<64x80xi32, #tpu.memory_space<vmem>> -> memref<1x80xi32, #tpu.memory_space<vmem>>
    %dma_start3A_185 = tpu.memref_squeeze %dma_start3A_184 : memref<1x80xi32, #tpu.memory_space<vmem>> -> memref<80xi32, #tpu.memory_space<vmem>>
    %dma_start3A_186 = arith.constant 0 : i32
    %dma_start3A_187 = arith.constant 0 : i32
    %dma_start3A_188 = tpu.memref_slice %arg12[%dma_start3A_186, %dma_start3A_187] : memref<10112x128xf32, #tpu.memory_space<vmem_shared>> -> memref<10112x128xf32, #tpu.memory_space<vmem_shared>>
    tpu.enqueue_indirect_dma source(%arg10 : memref<80x128xf32, #tpu.memory_space<vmem>>) target(%dma_start3A_188 : memref<10112x128xf32, #tpu.memory_space<vmem_shared>>) offsets(%dma_start3A_185 : memref<80xi32, #tpu.memory_space<vmem>>) semaphore(%arg17 : memref<!tpu.dma_semaphore, #tpu.memory_space<semaphore_mem>>) {add = true}
    %dma_wait3A_189 = arith.constant 60 : i32
    %dma_wait3A_190 = arith.constant 0 : i32
    %dma_wait3A_191 = tpu.memref_slice %arg8[%dma_wait3A_189, %dma_wait3A_190] : memref<64x80xi32, #tpu.memory_space<vmem>> -> memref<1x80xi32, #tpu.memory_space<vmem>>
    %dma_wait3A_192 = tpu.memref_squeeze %dma_wait3A_191 : memref<1x80xi32, #tpu.memory_space<vmem>> -> memref<80xi32, #tpu.memory_space<vmem>>
    %dma_wait3A_193 = arith.constant 0 : i32
    %dma_wait3A_194 = arith.constant 0 : i32
    %dma_wait3A_195 = tpu.memref_slice %arg12[%dma_wait3A_193, %dma_wait3A_194] : memref<10112x128xf32, #tpu.memory_space<vmem_shared>> -> memref<10112x128xf32, #tpu.memory_space<vmem_shared>>
    tpu.wait_indirect_dma semaphore(%arg16 : memref<!tpu.dma_semaphore, #tpu.memory_space<semaphore_mem>>) src(%arg9 : memref<80x128xf32, #tpu.memory_space<vmem>>) dst(%dma_wait3A_195 : memref<10112x128xf32, #tpu.memory_space<vmem_shared>>)
    %dma_start3A_196 = arith.constant 63 : i32
    %dma_start3A_197 = arith.constant 0 : i32
    %dma_start3A_198 = tpu.memref_slice %arg7[%dma_start3A_196, %dma_start3A_197] : memref<64x80xi32, #tpu.memory_space<vmem>> -> memref<1x80xi32, #tpu.memory_space<vmem>>
    %dma_start3A_199 = tpu.memref_squeeze %dma_start3A_198 : memref<1x80xi32, #tpu.memory_space<vmem>> -> memref<80xi32, #tpu.memory_space<vmem>>
    %dma_start3A_200 = arith.constant 0 : i32
    %dma_start3A_201 = arith.constant 0 : i32
    %dma_start3A_202 = tpu.memref_slice %arg2[%dma_start3A_200, %dma_start3A_201] : memref<10000x128xf32, #tpu.memory_space<hbm>> -> memref<10000x128xf32, #tpu.memory_space<hbm>>
    tpu.enqueue_indirect_dma source(%dma_start3A_202 : memref<10000x128xf32, #tpu.memory_space<hbm>>) target(%arg9 : memref<80x128xf32, #tpu.memory_space<vmem>>) offsets(%dma_start3A_199 : memref<80xi32, #tpu.memory_space<vmem>>) semaphore(%arg13 : memref<!tpu.dma_semaphore, #tpu.memory_space<semaphore_mem>>)
    %dma_wait3A_203 = arith.constant 62 : i32
    %dma_wait3A_204 = arith.constant 0 : i32
    %dma_wait3A_205 = tpu.memref_slice %arg7[%dma_wait3A_203, %dma_wait3A_204] : memref<64x80xi32, #tpu.memory_space<vmem>> -> memref<1x80xi32, #tpu.memory_space<vmem>>
    %dma_wait3A_206 = tpu.memref_squeeze %dma_wait3A_205 : memref<1x80xi32, #tpu.memory_space<vmem>> -> memref<80xi32, #tpu.memory_space<vmem>>
    %dma_wait3A_207 = arith.constant 0 : i32
    %dma_wait3A_208 = arith.constant 0 : i32
    %dma_wait3A_209 = tpu.memref_slice %arg2[%dma_wait3A_207, %dma_wait3A_208] : memref<10000x128xf32, #tpu.memory_space<hbm>> -> memref<10000x128xf32, #tpu.memory_space<hbm>>
    tpu.wait_indirect_dma semaphore(%arg15 : memref<!tpu.dma_semaphore, #tpu.memory_space<semaphore_mem>>) src(%dma_wait3A_209 : memref<10000x128xf32, #tpu.memory_space<hbm>>) dst(%arg11 : memref<80x128xf32, #tpu.memory_space<vmem>>)
    %dma_start3A_210 = arith.constant 62 : i32
    %dma_start3A_211 = arith.constant 0 : i32
    %dma_start3A_212 = tpu.memref_slice %arg8[%dma_start3A_210, %dma_start3A_211] : memref<64x80xi32, #tpu.memory_space<vmem>> -> memref<1x80xi32, #tpu.memory_space<vmem>>
    %dma_start3A_213 = tpu.memref_squeeze %dma_start3A_212 : memref<1x80xi32, #tpu.memory_space<vmem>> -> memref<80xi32, #tpu.memory_space<vmem>>
    %dma_start3A_214 = arith.constant 0 : i32
    %dma_start3A_215 = arith.constant 0 : i32
    %dma_start3A_216 = tpu.memref_slice %arg12[%dma_start3A_214, %dma_start3A_215] : memref<10112x128xf32, #tpu.memory_space<vmem_shared>> -> memref<10112x128xf32, #tpu.memory_space<vmem_shared>>
    tpu.enqueue_indirect_dma source(%arg11 : memref<80x128xf32, #tpu.memory_space<vmem>>) target(%dma_start3A_216 : memref<10112x128xf32, #tpu.memory_space<vmem_shared>>) offsets(%dma_start3A_213 : memref<80xi32, #tpu.memory_space<vmem>>) semaphore(%arg18 : memref<!tpu.dma_semaphore, #tpu.memory_space<semaphore_mem>>) {add = true}
    %dma_wait3A_217 = arith.constant 61 : i32
    %dma_wait3A_218 = arith.constant 0 : i32
    %dma_wait3A_219 = tpu.memref_slice %arg8[%dma_wait3A_217, %dma_wait3A_218] : memref<64x80xi32, #tpu.memory_space<vmem>> -> memref<1x80xi32, #tpu.memory_space<vmem>>
    %dma_wait3A_220 = tpu.memref_squeeze %dma_wait3A_219 : memref<1x80xi32, #tpu.memory_space<vmem>> -> memref<80xi32, #tpu.memory_space<vmem>>
    %dma_wait3A_221 = arith.constant 0 : i32
    %dma_wait3A_222 = arith.constant 0 : i32
    %dma_wait3A_223 = tpu.memref_slice %arg12[%dma_wait3A_221, %dma_wait3A_222] : memref<10112x128xf32, #tpu.memory_space<vmem_shared>> -> memref<10112x128xf32, #tpu.memory_space<vmem_shared>>
    tpu.wait_indirect_dma semaphore(%arg17 : memref<!tpu.dma_semaphore, #tpu.memory_space<semaphore_mem>>) src(%arg10 : memref<80x128xf32, #tpu.memory_space<vmem>>) dst(%dma_wait3A_223 : memref<10112x128xf32, #tpu.memory_space<vmem_shared>>)
    %dma_wait3A_224 = arith.constant 63 : i32
    %dma_wait3A_225 = arith.constant 0 : i32
    %dma_wait3A_226 = tpu.memref_slice %arg7[%dma_wait3A_224, %dma_wait3A_225] : memref<64x80xi32, #tpu.memory_space<vmem>> -> memref<1x80xi32, #tpu.memory_space<vmem>>
    %dma_wait3A_227 = tpu.memref_squeeze %dma_wait3A_226 : memref<1x80xi32, #tpu.memory_space<vmem>> -> memref<80xi32, #tpu.memory_space<vmem>>
    %dma_wait3A_228 = arith.constant 0 : i32
    %dma_wait3A_229 = arith.constant 0 : i32
    %dma_wait3A_230 = tpu.memref_slice %arg2[%dma_wait3A_228, %dma_wait3A_229] : memref<10000x128xf32, #tpu.memory_space<hbm>> -> memref<10000x128xf32, #tpu.memory_space<hbm>>
    tpu.wait_indirect_dma semaphore(%arg13 : memref<!tpu.dma_semaphore, #tpu.memory_space<semaphore_mem>>) src(%dma_wait3A_230 : memref<10000x128xf32, #tpu.memory_space<hbm>>) dst(%arg9 : memref<80x128xf32, #tpu.memory_space<vmem>>)
    %dma_start3A_231 = arith.constant 63 : i32
    %dma_start3A_232 = arith.constant 0 : i32
    %dma_start3A_233 = tpu.memref_slice %arg8[%dma_start3A_231, %dma_start3A_232] : memref<64x80xi32, #tpu.memory_space<vmem>> -> memref<1x80xi32, #tpu.memory_space<vmem>>
    %dma_start3A_234 = tpu.memref_squeeze %dma_start3A_233 : memref<1x80xi32, #tpu.memory_space<vmem>> -> memref<80xi32, #tpu.memory_space<vmem>>
    %dma_start3A_235 = arith.constant 0 : i32
    %dma_start3A_236 = arith.constant 0 : i32
    %dma_start3A_237 = tpu.memref_slice %arg12[%dma_start3A_235, %dma_start3A_236] : memref<10112x128xf32, #tpu.memory_space<vmem_shared>> -> memref<10112x128xf32, #tpu.memory_space<vmem_shared>>
    tpu.enqueue_indirect_dma source(%arg9 : memref<80x128xf32, #tpu.memory_space<vmem>>) target(%dma_start3A_237 : memref<10112x128xf32, #tpu.memory_space<vmem_shared>>) offsets(%dma_start3A_234 : memref<80xi32, #tpu.memory_space<vmem>>) semaphore(%arg16 : memref<!tpu.dma_semaphore, #tpu.memory_space<semaphore_mem>>) {add = true}
    %dma_wait3A_238 = arith.constant 62 : i32
    %dma_wait3A_239 = arith.constant 0 : i32
    %dma_wait3A_240 = tpu.memref_slice %arg8[%dma_wait3A_238, %dma_wait3A_239] : memref<64x80xi32, #tpu.memory_space<vmem>> -> memref<1x80xi32, #tpu.memory_space<vmem>>
    %dma_wait3A_241 = tpu.memref_squeeze %dma_wait3A_240 : memref<1x80xi32, #tpu.memory_space<vmem>> -> memref<80xi32, #tpu.memory_space<vmem>>
    %dma_wait3A_242 = arith.constant 0 : i32
    %dma_wait3A_243 = arith.constant 0 : i32
    %dma_wait3A_244 = tpu.memref_slice %arg12[%dma_wait3A_242, %dma_wait3A_243] : memref<10112x128xf32, #tpu.memory_space<vmem_shared>> -> memref<10112x128xf32, #tpu.memory_space<vmem_shared>>
    tpu.wait_indirect_dma semaphore(%arg18 : memref<!tpu.dma_semaphore, #tpu.memory_space<semaphore_mem>>) src(%arg11 : memref<80x128xf32, #tpu.memory_space<vmem>>) dst(%dma_wait3A_244 : memref<10112x128xf32, #tpu.memory_space<vmem_shared>>)
    %dma_wait3A_245 = arith.constant 63 : i32
    %dma_wait3A_246 = arith.constant 0 : i32
    %dma_wait3A_247 = tpu.memref_slice %arg8[%dma_wait3A_245, %dma_wait3A_246] : memref<64x80xi32, #tpu.memory_space<vmem>> -> memref<1x80xi32, #tpu.memory_space<vmem>>
    %dma_wait3A_248 = tpu.memref_squeeze %dma_wait3A_247 : memref<1x80xi32, #tpu.memory_space<vmem>> -> memref<80xi32, #tpu.memory_space<vmem>>
    %dma_wait3A_249 = arith.constant 0 : i32
    %dma_wait3A_250 = arith.constant 0 : i32
    %dma_wait3A_251 = tpu.memref_slice %arg12[%dma_wait3A_249, %dma_wait3A_250] : memref<10112x128xf32, #tpu.memory_space<vmem_shared>> -> memref<10112x128xf32, #tpu.memory_space<vmem_shared>>
    tpu.wait_indirect_dma semaphore(%arg16 : memref<!tpu.dma_semaphore, #tpu.memory_space<semaphore_mem>>) src(%arg9 : memref<80x128xf32, #tpu.memory_space<vmem>>) dst(%dma_wait3A_251 : memref<10112x128xf32, #tpu.memory_space<vmem_shared>>)
    %barrier3A_252 = arith.constant 0 : index
    tpu.barrier barrier_id(%barrier3A_252)
    %mul3A_253 = arith.constant 632 : i32
    %mul3A_254 = arith.muli %arg1, %mul3A_253 : i32
    %mul3A_255 = arith.constant 632 : i32
    %mul3A_256 = arith.muli %arg1, %mul3A_255 : i32
    "tpu.region"() ({
      %run_scoped3A = tpu.sem_alloc : memref<!tpu.dma_semaphore, #tpu.memory_space<semaphore_mem>>
      %dma_start3A_257 = arith.constant 0 : i32
      %dma_start3A_258 = tpu.memref_slice %arg6[%arg0, %mul3A_256, %dma_start3A_257] : memref<2x10112x128xf32, #tpu.memory_space<hbm>> -> memref<1x632x128xf32, #tpu.memory_space<hbm>>
      %dma_start3A_259 = tpu.memref_squeeze %dma_start3A_258 : memref<1x632x128xf32, #tpu.memory_space<hbm>> -> memref<632x128xf32, #tpu.memory_space<hbm>>
      %dma_start3A_260 = arith.constant 0 : i32
      %dma_start3A_261 = tpu.memref_slice %arg12[%mul3A_254, %dma_start3A_260] : memref<10112x128xf32, #tpu.memory_space<vmem_shared>> -> memref<632x128xf32, #tpu.memory_space<vmem_shared>>
      tpu.enqueue_dma source(%dma_start3A_261 : memref<632x128xf32, #tpu.memory_space<vmem_shared>>) target(%dma_start3A_259 : memref<632x128xf32, #tpu.memory_space<hbm>>) target_semaphore(%run_scoped3A : memref<!tpu.dma_semaphore, #tpu.memory_space<semaphore_mem>>)
      %dma_wait3A_262 = arith.constant 0 : i32
      %dma_wait3A_263 = tpu.memref_slice %arg6[%arg0, %mul3A_256, %dma_wait3A_262] : memref<2x10112x128xf32, #tpu.memory_space<hbm>> -> memref<1x632x128xf32, #tpu.memory_space<hbm>>
      %dma_wait3A_264 = tpu.memref_squeeze %dma_wait3A_263 : memref<1x632x128xf32, #tpu.memory_space<hbm>> -> memref<632x128xf32, #tpu.memory_space<hbm>>
      %dma_wait3A_265 = arith.constant 0 : i32
      %dma_wait3A_266 = tpu.memref_slice %arg12[%mul3A_254, %dma_wait3A_265] : memref<10112x128xf32, #tpu.memory_space<vmem_shared>> -> memref<632x128xf32, #tpu.memory_space<vmem_shared>>
      tpu.wait_dma2 semaphore(%run_scoped3A : memref<!tpu.dma_semaphore, #tpu.memory_space<semaphore_mem>>) src(%dma_wait3A_266 : memref<632x128xf32, #tpu.memory_space<vmem_shared>>) dst(%dma_wait3A_264 : memref<632x128xf32, #tpu.memory_space<hbm>>)
      tpu.yield
    }) : () -> ()
    return
  }
}

module attributes {stable_mosaic.version = 14 : i64} {
  func.func @_mm_body(%arg0: i32, %arg1: memref<2000x128xf32, #tpu.memory_space<vmem>>, %arg2: memref<128x128xf32, #tpu.memory_space<vmem>>, %arg3: memref<2000x1xf32, #tpu.memory_space<vmem>>, %arg4: memref<2000x128xf32, #tpu.memory_space<vmem>>) attributes {dimension_semantics = [#tpu.dimension_semantics<arbitrary>], iteration_bounds = array<i64: 5>, scalar_prefetch = 0 : i64, scratch_operands = 0 : i64, tpu.core_type = #tpu.core_type<tc>, window_params = [{transform_indices = @transform_0, window_bounds = array<i64: 2000, 128>}, {pipeline_mode = #tpu.pipeline_mode<synchronous>, transform_indices = @transform_1, window_bounds = array<i64: 128, 128>}, {transform_indices = @transform_2, window_bounds = array<i64: 2000, 1>}, {transform_indices = @transform_3, window_bounds = array<i64: 2000, 128>}]} {
    %get3A = arith.constant 0 : index
    %get3A_0 = arith.constant 0 : index
    %get3A_1 = vector.load %arg1[%get3A, %get3A_0] : memref<2000x128xf32, #tpu.memory_space<vmem>>, vector<2000x128xf32>
    %get3A_2 = arith.constant 0 : index
    %get3A_3 = arith.constant 0 : index
    %get3A_4 = vector.load %arg2[%get3A_2, %get3A_3] : memref<128x128xf32, #tpu.memory_space<vmem>>, vector<128x128xf32>
    %dot_general3A = arith.constant dense<0.000000e+00> : vector<2000x128xf32>
    %dot_general3A_5 = tpu.matmul %get3A_1, %get3A_4, %dot_general3A {dimension_numbers = #tpu.dot_dimension_numbers<[1], [0], [0], [1], [0, 0, 1, 1], [], []>, transpose_lhs_hint = false} : vector<2000x128xf32>, vector<128x128xf32>, vector<2000x128xf32> -> vector<2000x128xf32>
    %get3A_6 = arith.constant 0 : index
    %get3A_7 = arith.constant 0 : index
    %get3A_8 = vector.load %arg3[%get3A_6, %get3A_7] : memref<2000x1xf32, #tpu.memory_space<vmem>>, vector<2000x1xf32>
    %mul3A = vector.broadcast %get3A_8 : vector<2000x1xf32> to vector<2000x128xf32>
    %mul3A_9 = arith.mulf %dot_general3A_5, %mul3A : vector<2000x128xf32>
    %swap3A = arith.constant 0 : index
    %swap3A_10 = arith.constant 0 : index
    %swap3A_11 = vector.load %arg4[%swap3A, %swap3A_10] : memref<2000x128xf32, #tpu.memory_space<vmem>>, vector<2000x128xf32>
    tpu.vector_store %arg4[%swap3A, %swap3A_10], %mul3A_9 {strides = array<i32>} : memref<2000x128xf32, #tpu.memory_space<vmem>>, vector<2000x128xf32>,
    return
  }
  func.func @transform_0(%arg0: i32) -> (i32, i32) {
    %c0_i32 = arith.constant 0 : i32
    %c0_i32_0 = arith.constant 0 : i32
    return %arg0, %c0_i32 : i32, i32
  }
  func.func @transform_1(%arg0: i32) -> (i32, i32) {
    %c0_i32 = arith.constant 0 : i32
    %c0_i32_0 = arith.constant 0 : i32
    %c0_i32_1 = arith.constant 0 : i32
    return %c0_i32, %c0_i32_0 : i32, i32
  }
  func.func @transform_2(%arg0: i32) -> (i32, i32) {
    %c0_i32 = arith.constant 0 : i32
    %c0_i32_0 = arith.constant 0 : i32
    return %arg0, %c0_i32 : i32, i32
  }
  func.func @transform_3(%arg0: i32) -> (i32, i32) {
    %c0_i32 = arith.constant 0 : i32
    %c0_i32_0 = arith.constant 0 : i32
    return %arg0, %c0_i32 : i32, i32
  }
}

module attributes {stable_mosaic.version = 14 : i64} {
  func.func @_combine_body(%arg0: i32, %arg1: memref<1x2000x128xf32, #tpu.memory_space<vmem>>, %arg2: memref<1x2000x128xf32, #tpu.memory_space<vmem>>, %arg3: memref<2000x1xf32, #tpu.memory_space<vmem>>, %arg4: memref<2000x128xf32, #tpu.memory_space<vmem>>) attributes {dimension_semantics = [#tpu.dimension_semantics<arbitrary>], iteration_bounds = array<i64: 5>, scalar_prefetch = 0 : i64, scratch_operands = 0 : i64, tpu.core_type = #tpu.core_type<tc>, window_params = [{transform_indices = @transform_0, window_bounds = array<i64: 1, 2000, 128>}, {transform_indices = @transform_1, window_bounds = array<i64: 1, 2000, 128>}, {transform_indices = @transform_2, window_bounds = array<i64: 2000, 1>}, {transform_indices = @transform_3, window_bounds = array<i64: 2000, 128>}]} {
    %get3A = arith.constant 0 : index
    %get3A_0 = arith.constant 0 : index
    %get3A_1 = arith.constant 0 : index
    %get3A_2 = vector.load %arg1[%get3A, %get3A_0, %get3A_1] : memref<1x2000x128xf32, #tpu.memory_space<vmem>>, vector<1x2000x128xf32>
    %get3A_3 = vector.shape_cast %get3A_2 : vector<1x2000x128xf32> to vector<2000x128xf32>
    %get3A_4 = arith.constant 0 : index
    %get3A_5 = arith.constant 0 : index
    %get3A_6 = arith.constant 0 : index
    %get3A_7 = vector.load %arg2[%get3A_4, %get3A_5, %get3A_6] : memref<1x2000x128xf32, #tpu.memory_space<vmem>>, vector<1x2000x128xf32>
    %get3A_8 = vector.shape_cast %get3A_7 : vector<1x2000x128xf32> to vector<2000x128xf32>
    %add3A = arith.addf %get3A_3, %get3A_8 : vector<2000x128xf32>
    %get3A_9 = arith.constant 0 : index
    %get3A_10 = arith.constant 0 : index
    %get3A_11 = vector.load %arg3[%get3A_9, %get3A_10] : memref<2000x1xf32, #tpu.memory_space<vmem>>, vector<2000x1xf32>
    %mul3A = vector.broadcast %get3A_11 : vector<2000x1xf32> to vector<2000x128xf32>
    %mul3A_12 = arith.mulf %add3A, %mul3A : vector<2000x128xf32>
    %swap3A = arith.constant 0 : index
    %swap3A_13 = arith.constant 0 : index
    %swap3A_14 = vector.load %arg4[%swap3A, %swap3A_13] : memref<2000x128xf32, #tpu.memory_space<vmem>>, vector<2000x128xf32>
    tpu.vector_store %arg4[%swap3A, %swap3A_13], %mul3A_12 {strides = array<i32>} : memref<2000x128xf32, #tpu.memory_space<vmem>>, vector<2000x128xf32>,
    return
  }
  func.func @transform_0(%arg0: i32) -> (i32, i32, i32) {
    %c0_i32 = arith.constant 0 : i32
    %c0_i32_0 = arith.constant 0 : i32
    %c0_i32_1 = arith.constant 0 : i32
    return %c0_i32, %arg0, %c0_i32_0 : i32, i32, i32
  }
  func.func @transform_1(%arg0: i32) -> (i32, i32, i32) {
    %c1_i32 = arith.constant 1 : i32
    %c0_i32 = arith.constant 0 : i32
    %c0_i32_0 = arith.constant 0 : i32
    return %c1_i32, %arg0, %c0_i32 : i32, i32, i32
  }
  func.func @transform_2(%arg0: i32) -> (i32, i32) {
    %c0_i32 = arith.constant 0 : i32
    %c0_i32_0 = arith.constant 0 : i32
    return %arg0, %c0_i32 : i32, i32
  }
  func.func @transform_3(%arg0: i32) -> (i32, i32) {
    %c0_i32 = arith.constant 0 : i32
    %c0_i32_0 = arith.constant 0 : i32
    return %arg0, %c0_i32 : i32, i32
  }
}

</mosaic_0001>

<sc_bundles>
// kernel: kernel.5.cloned.1.call-start
scs
__scs_entry_jumppad:
0x0: {  	(pc) =	sbr.rel $0x88, $3  }
0x1: {  	(tag) =	ssettag $0x0;
	lr =	simm.s32 $0x1  }
0x2: {  	[smem:$0x3F9D] =	sst lr;
	_ =	strace $0xD0000000  }
0x3: {  	_ = 	snop  }
0x4: {  	_ = 	snop  }
0x5: {  	_ = 	snop  }
0x6: {  	_ = 	snop  }
0x7: {  	_ = 	snop  }
__scs_overlays_trampoline_lowered:
0x8: {  	[smem:$0x3FAC] =	sst s0  }
0x9: {  	[smem:$0x3FAD] =	sst s1  }
0xa: {  	[smem:$0x3FAE] =	sst s2  }
0xb: {  	[smem:$0x3FAF] =	sst s3  }
0xc: {  	[smem:$0x3FB0] =	sst s4  }
0xd: {  	[smem:$0x3FB1] =	sst s5  }
0xe: {  	[smem:$0x3FB2] =	sst s6  }
0xf: {  	[smem:$0x3FB3] =	sst s7  }
0x10: {  	[smem:$0x3FB4] =	sst s8  }
0x11: {  	[smem:$0x3FB5] =	sst s9;
	s0 =	simm.s32 @!p0 $0x0  }
0x12: {  	s1 =	sld [smem:$0x3F9B];
	s0 =	simm.s32 @p0 $0x1  }
0x13: {  	[smem:$0x3FB6] =	sst s0;
	s0 =	simm.s32 @!p1 $0x0  }
0x14: {  	s2 =	sld [smem:$0x3F9A];
	s0 =	simm.s32 @p1 $0x1  }
0x15: {  	[smem:$0x3FB7] =	sst s0;
	s0 =	simm.s32 @!p2 $0x0  }
0x16: {  	s3 =	sld [smem:$0x3FDB];
	s0 =	simm.s32 @p2 $0x1  }
0x17: {  	s4 =	simm.s32 $0x1BF5;
	[smem:$0x3FB9] =	sst s0  }
0x18: {  	s0 =	sld [smem:$0x3F9C];
	_ =	swait.ge [sflag:s4], $0x0  }
0x19: {  	s7 =	sld [smem:$0x3F9D]  }
0x1a: {  	s8 =	sadd.s32 $0xFFFFE003, lr  }
0x1b: {  	s9 =	sadd.s32 $0xFFFFFEF7, lr;
	s5 =	simm.s32 $0xFFFFFFFF;
	p2 =	slt.u32 s8, $0xFFFFF086  }
0x1c: {  	p1 =	slt.u32 s9, $0xF7A;
	s5 =	simm.s32 @!p2 $0x0  }
0x1d: {  	s5 =	simm.s32 @p1 $0x1;
	p0 =	seq.s32 s7, s2  }
0x1e: {  	s7 =	smul.u32 @!p0 $0xF7A, s2;
	p2 =	seq.s32 @!p0 s5, $0x0  }
0x1f: {  	s9 =	smul.u32 $0xF7A, s1;
	s8 =	simm.s32 @!p0 $0x1BF5;
	p2 =	por !p2, p0  }
0x20: {  	[sflag:s8] =	ssyncset.s32 @!p0 $0xFFFFF086;
	s6 =	sadd.s32 @!p0 s3, s7;
	s7 =	simm.s32 @!p0 $0x108  }
0x21: {  	s3 =	sadd.s32 s3, s9;
	s6 =	sadd.s32 @!p0 $0x88, s6;
	s7 =	simm.s32 @p2 $0x1082  }
0x22: {  	[simem:s7], [sflag:s8] =	dma.local @!p0 [hbm:s6], $0xF7A  }
0x23: {  	s9 =	sor.u32 $0xD0000000, s2;
	s6 =	simm.s32 $0x108;
	_ =	swait.ge @!p0 [sflag:s8], $0x0  }
0x24: {  	s3 =	sadd.s32 $0x88, s3;
	s6 =	simm.s32 @!p1 $0x1082;
	[sflag:s4] =	ssyncset.s32 $0xFFFFF086  }
0x25: {  	[simem:s6], [sflag:s4] =	dma.local [hbm:s3], $0xF7A  }
0x26: {  	[smem:$0x3F9D] =	sst s1;
	(tag) =	ssettag s2;
	_ =	strace s9  }
0x27: {  	s1 =	sld [smem:$0x3FAD]  }
0x28: {  	s2 =	sld [smem:$0x3FAE]  }
0x29: {  	s4 =	sld [smem:$0x3FB0]  }
0x2a: {  	p0 =	seq.s32 s5, $0x0;
	s5 =	sld [smem:$0x3FB1]  }
0x2b: {  	s6 =	sld [smem:$0x3FB2]  }
0x2c: {  	s7 =	sld [smem:$0x3FB3]  }
0x2d: {  	s3 =	simm.s32 $0x108;
	s8 =	sld [smem:$0x3FB4]  }
0x2e: {  	s3 =	simm.s32 @!p0 $0x1082;
	s9 =	sld [smem:$0x3FB5]  }
0x2f: {  	lr =	sadd.s32 s0, s3;
	s0 =	sld [smem:$0x3FAC]  }
0x30: {  	s3 =	sld [smem:$0x3FAF]  }
0x31: {  	[smem:$0x3FB8] =	sst s10  }
0x32: {  	s10 =	sld [smem:$0x3FB6];
	_ =	sdelay $0x3  }
0x33: {  	p0 =	seq.s32 s10, $0x1;
	s10 =	sld [smem:$0x3FB8];
	_ =	sdelay $0x3  }
0x34: {  	[smem:$0x3FB8] =	sst s10  }
0x35: {  	s10 =	sld [smem:$0x3FB7];
	_ =	sdelay $0x3  }
0x36: {  	p1 =	seq.s32 s10, $0x1;
	s10 =	sld [smem:$0x3FB8];
	_ =	sdelay $0x3  }
0x37: {  	[smem:$0x3FB8] =	sst s10  }
0x38: {  	s10 =	sld [smem:$0x3FB9]  }
0x39: {  	_ = 	snop;
	(pc) =	sbr.ind lr, $3  }
0x3a: {  	_ = 	snop  }
0x3b: {  	_ = 	snop  }
0x3c: {  	p2 =	seq.s32 s10, $0x1;
	s10 =	sld [smem:$0x3FB8]  }
0x3d: {  	_ =	shalt  }
0x3e: {  	_ =	shalt  }
0x3f: {  	_ =	shalt  }
0x40: {  	_ =	shalt  }
0x41: {  	_ =	shalt  }
0x42: {  	_ =	shalt  }
0x43: {  	_ =	shalt  }
0x44: {  	_ =	shalt  }
0x45: {  	_ =	shalt  }
0x46: {  	_ =	shalt  }
0x47: {  	_ =	shalt  }
0x48: {  	_ =	shalt  }
0x49: {  	_ =	shalt  }
0x4a: {  	_ =	shalt  }
0x4b: {  	_ =	shalt  }
0x4c: {  	_ =	shalt  }
0x4d: {  	_ =	shalt  }
0x4e: {  	_ =	shalt  }
0x4f: {  	_ =	shalt  }
0x50: {  	_ =	shalt  }
0x51: {  	_ =	shalt  }
0x52: {  	_ =	shalt  }
0x53: {  	_ =	shalt  }
0x54: {  	_ =	shalt  }
0x55: {  	_ =	shalt  }
0x56: {  	_ =	shalt  }
0x57: {  	_ =	shalt  }
0x58: {  	_ =	shalt  }
0x59: {  	_ =	shalt  }
0x5a: {  	_ =	shalt  }
0x5b: {  	_ =	shalt  }
0x5c: {  	_ =	shalt  }
0x5d: {  	_ =	shalt  }
0x5e: {  	_ =	shalt  }
0x5f: {  	_ =	shalt  }
0x60: {  	_ =	shalt  }
0x61: {  	_ =	shalt  }
0x62: {  	_ =	shalt  }
0x63: {  	_ =	shalt  }
0x64: {  	_ =	shalt  }
0x65: {  	_ =	shalt  }
0x66: {  	_ =	shalt  }
0x67: {  	_ =	shalt  }
0x68: {  	_ =	shalt  }
0x69: {  	_ =	shalt  }
0x6a: {  	_ =	shalt  }
0x6b: {  	_ =	shalt  }
0x6c: {  	_ =	shalt  }
0x6d: {  	_ =	shalt  }
0x6e: {  	_ =	shalt  }
0x6f: {  	_ =	shalt  }
0x70: {  	_ =	shalt  }
0x71: {  	_ =	shalt  }
0x72: {  	_ =	shalt  }
0x73: {  	_ =	shalt  }
0x74: {  	_ =	shalt  }
0x75: {  	_ =	shalt  }
0x76: {  	_ =	shalt  }
0x77: {  	_ =	shalt  }
0x78: {  	_ =	shalt  }
0x79: {  	_ =	shalt  }
0x7a: {  	_ =	shalt  }
0x7b: {  	_ =	shalt  }
0x7c: {  	_ =	shalt  }
0x7d: {  	_ =	shalt  }
0x7e: {  	_ =	shalt  }
0x7f: {  	_ =	shalt  }
0x80: {  	_ =	shalt  }
0x81: {  	_ =	shalt  }
0x82: {  	_ =	shalt  }
0x83: {  	_ =	shalt  }
0x84: {  	_ =	shalt  }
0x85: {  	_ =	shalt  }
0x86: {  	_ =	shalt  }
0x87: {  	_ =	shalt  }
.Lfunc_end0:
.L_simem_size_0:
called_computation_lowered:
.L_overlay_start_0:
0x88: {  	s2 =	sld [smem:$0x3FD9]  }
0x89: {  	s3 =	sld [smem:$0x3FFE];
	_ =	sdelay $0x1  }
0x8a: {  	s1 =	srdreg.scid  }
0x8b: {  	s0 =	sand.u32 $0x1, s1  }
0x8c: {  	s17 =	sshll.u32 s0, $0xA;
	s2 =	sadd.s32 s3, s2  }
0x8d: {  	s2 =	sadd.s32 s2, s17  }
0x8e: {  	[smem:$0x3FC4] =	sst s2  }
0x8f: {  	_ = 	snop  }
0x90: {  	s2 =	sld [smem:$0x3FD0];
	(tm) =	ssettm $0x1  }
0x91: {  	s18 =	sld [smem:$0x3FFB];
	_ =	sdelay $0x3  }
0x92: {  	_ =	strace s18  }
0x93: {  	s3 =	sld [smem:$0x3FFC];
	_ =	sdelay $0x3  }
0x94: {  	_ =	strace s3  }
0x95: {  	s3 =	sld [smem:$0x3FFD];
	_ =	sdelay $0x3  }
0x96: {  	_ =	strace s3  }
0x97: {  	_ =	strace $0x8FFFFFFF  }
0x98: {  	s19 =	sld [smem:$0x3FDB];
	_ =	sdelay $0x1  }
0x99: {  	s4 =	simm.s32 $_scs_section_size  }
0x9a: {  	s5 =	simm.s32 $_size__tile_overlayer_lowered;
	s6 =	simm.s32 $_tile_overlayer_lowered  }
0x9b: {  	s22 =	simm.s32 $0x1BFF;
	s21 =	sshll.u32 s6, $0x1;
	s3 =	sadd.s32 s4, s19  }
0x9c: {  	s7 =	simm.s32 $0x0;
	s20 =	sshll.u32 s5, $0x1;
	s5 =	sadd.s32 s21, s3  }
0x9d: {  	[timem:s7], [sflag:s22] =	dma.local [hbm:s5], s20  }
0x9e: {  	_ =	swait.ge [sflag:s22], s20  }
0x9f: {  	s4 =	ssub.s32 $0x0, s20;
	[sflag:s22] =	ssyncset.done $0x0  }
0xa0: {  	[sflag:s22] =	ssyncadd.s32 s4;
	_ =	sdelay $0x1  }
0xa1: {  	s23 =	simm.s32 $0x1B8B  }
0xa2: {  	_ =	swait.ge [sflag:s23], $0x1  }
0xa3: {  	[sflag:s23] =	ssyncset.done $0x0  }
0xa4: {  	s25 =	simm.s32 $0x1B8E;
	s24 =	sld [smem:$0x3FFE];
	[sflag:s23] =	ssyncadd.s32 $0xFFFFFFFF  }
0xa5: {  	s26 =	simm.s32 $execute0_lowered;
	[smem:$0x3FD2] =	sst s25  }
0xa6: {  	s5 =	sshll.u32 s26, $0x1;
	_ =	strace $0x80000046;
	[dreg:$0x1] =	wrdreg $0xFFFFFFFF  }
0xa7: {  	s28 =	simm.s32 $_size_execute0_lowered;
	s3 =	sadd.s32 s3, s5;
	[dreg:$0x0] =	wrdreg $0x0  }
0xa8: {  	s5 =	sshll.u32 s28, $0x1;
	[dreg:$0x2] =	wrdreg s3  }
0xa9: {  	[dreg:$0x3] =	wrdreg s5  }
0xaa: {  	[dreg:$0x4] =	wrdreg $0xC0  }
0xab: {  	_ =	task [dreg:s7], $0x5FFFF  }
0xac: {  	[dreg:$0x1] =	wrdreg $0xFFFFFFFF  }
0xad: {  	[dreg:$0x0] =	wrdreg $0x60  }
0xae: {  	[dreg:$0x2] =	wrdreg s2  }
0xaf: {  	[dreg:$0x3] =	wrdreg s24  }
0xb0: {  	[dreg:$0x4] =	wrdreg $0xB8000  }
0xb1: {  	[dreg:$0x5] =	wrdreg $0x9  }
0xb2: {  	_ =	task.clear_ibuf [dreg:s7], $0x6FFFF;
	_ =	strace $0x90000046  }
0xb3: {  	s29 =	simm.s32 $0x9;
	_ =	strace $0x80000048  }
0xb4: {  	_ =	swait.ge [sflag:s29], $0x1  }
0xb5: {  	[sflag:s29] =	ssyncadd.s32 $0xFFFFFFFF  }
0xb6: {  	_ =	strace $0x90000048  }
0xb7: {  	_ =	sfence  }
0xb8: {  	s30 =	sld [smem:$0x0];
	_ =	sdelay $0x2  }
0xb9: {  	s31 =	sshll.u32 s1, $0xD;
	s1 =	sshrl.u32 s1, $0x2  }
0xba: {  	s3 =	sand.u32 $0x4000, s31;
	s1 =	sadd.s32 s1, s30  }
0xbb: {  	s0 =	sor.u32 s3, s0;
	s1 =	sshll.u32 s1, $0x11  }
0xbc: {  	s0 =	sor.u32 s1, s0  }
0xbd: {  	s0 =	sadd.s32 $0x8F2B, s0  }
0xbe: {  	[sflag:s0] =	ssyncadd.remote.s32 $0x1  }
0xbf: {  	_ =	sfence.sel $0xFFFF  }
0xc0: {  	[dreg:$0x0] =	wrdreg $0xFFFFFFFF;
	(pc) =	sbr.abs _section_cstart, $3  }
0xc1: {  	[dreg:$0x1] =	wrdreg $0xFFFFFFFF  }
0xc2: {  	_ =	task.clear_ibuf [dreg:s7], $0x2FFFF;
	_ =	strace $0x9FFFFFFF  }
0xc3: {  	(tm) =	ssettm $0x7FFFFFFF  }
tec
execute0_lowered:
.L_overlay_start_1:
0x0: {  	(tag) =	ssettag $0x1  }
0x1: {  	s1 =	rddreg [dreg:$0x0]  }
0x2: {  	s0 =	rddreg [dreg:$0x1]  }
0x3: {  	s2 =	rddreg [dreg:$0x2];
	s3 =	srdreg.scid;
	s4 =	simm.s32 $0x0  }
0x4: {  	s9 =	stileid.u32;
	s14 =	simm.s32 $0x7;
	s16 =	simm.s32 $0x50  }
0x5: {  	s17 =	simm.s32 $0x4000;
	s18 =	simm.s32 $0x80;
	s19 =	simm.s32 $0x6800  }
0x6: {  	s20 =	simm.s32 $0x1;
	s28 =	simm.s32 $0x6;
	s29 =	simm.s32 $0x3E80  }
0x7: {  	s30 =	simm.s32 $0x1F80;
	s31 =	simm.s32 $0x3F00;
	s3 =	sand.u32 $0x1, s3  }
0x8: {  	[smem:$0x7FF] =	sst s4;
	s7 =	smul.u32 $0x13C00, s9;
	s11 =	sadd.s32 $0x20C00, s0  }
0x9: {  	s21 =	smul.u32 $0x4F000, s9;
	s22 =	sadd.s32 $0x21C00, s0;
	s25 =	sshll.u32 s9, $0x6  }
0xa: {  	s15 =	sadd.s32 $0x21400, s0;
	s13 =	sadd.s32 $0x21000, s0;
	s5 =	sshll.u32 s3, $0x4  }
0xb: {  	s6 =	smul.u32 $0x13C000, s3;
	_ =	strace $0x80000047;
	s3 =	ssub.s32 $0x2, s3  }
0xc: {  	[dreg:$0x4] =	wrdreg s22;
	s22 =	simm.s32 $0x9000;
	s5 =	sor.u32 s9, s5  }
0xd: {  	s23 =	sshrl.u32 s3, $0x1;
	s24 =	sshrl.u32 s21, $0x2;
	s21 =	simm.s32 $0x100  }
0xe: {  	s8 =	sshll.u32 s5, $0xB;
	s6 =	sadd.s32 s7, s6;
	s3 =	ssub.s32 s3, s23  }
0xf: {  	p0 =	seq.s32 s5, $0x1F;
	s26 =	sadd.s32 s24, s2;
	s23 =	simm.s32 $0x2  }
0x10: {  	s24 =	simm.s32 $0x4;
	s10 =	sadd.s32 s8, s0;
	s6 =	sshrl.u32 s6, $0x3  }
0x11: {  	s3 =	smax.u32 s3, $0x1;
	s12 =	sadd.s32 s6, s0;
	s6 =	sor.u32 $0x1C07, s25  }
0x12: {  	s7 =	sadd.s32 $0x1800, s10;
	s8 =	sadd.s32 $0x11200, s10;
	s9 =	sadd.s32 $0x1C00, s10  }
0x13: {  	s10 =	sadd.s32 $0x11600, s10;
	s0 =	sadd.s32 $0x21800, s0;
	[dreg:$0x6] =	wrdreg s3  }
0x14: {  	s25 =	simm.s32 $0x3;
	s3 =	simm.s32 $0x0;
	s12 =	sadd.s32 $0x24400, s12  }
0x15: {  	s9 =	smov.u32 @p0 s13;
	s10 =	smov.u32 @p0 s0;
	s13 =	sshrl.u32 s26, $0x3  }
0x16: {  	s7 =	smov.u32 @p0 s11;
	s8 =	smov.u32 @p0 s15;
	s15 =	simm.s32 $0x2000  }
0x17: {  	s26 =	simm.s32 $0x5;
	s0 =	simm.s32 $0x3F80;
	[dreg:$0x5] =	wrdreg s12  }
.LBB2_1:
0x18: {  	s5 =	rddreg [dreg:$0x4]  }
0x19: {  	[spmem:s13], [sflag:s6] =	dma.local [hbm:s5], $0x2780  }
0x1a: {  	_ =	swait.ge [sflag:s14], $0x2780  }
0x1b: {  	[sflag:s14] =	ssyncset.done $0x0  }
0x1c: {  	[sflag:s14] =	ssyncadd.s32 $0xFFFFD880  }
0x1d: {  	[bflag:$0x0] =	sbarrier.arrive $0xFFFF  }
0x1e: {  	[tilespmem:s4], [sflag:$0x7] =	stream.linear.gather [hbm4b:s7+s4], $0x2000, $0x38;
	[tilespmem:$0x1F400] =	vst v63  }
0x1f: {  	_ =	swait.ge [sflag:s14], $0x2000  }
0x20: {  	[sflag:s14] =	ssyncset.done $0x0  }
0x21: {  	[sflag:s14] =	ssyncadd.s32 $0xFFFFE000  }
0x22: {  	[tilespmem:s15], [sflag:$0x7] =	stream.linear.gather [hbm4b:s8+s4], $0x2000, $0x38;
	[tilespmem:$0x1F400] =	vst v63  }
0x23: {  	_ =	swait.ge [sflag:s14], $0x2000  }
0x24: {  	[sflag:s14] =	ssyncset.done $0x0  }
0x25: {  	[sflag:s14] =	ssyncadd.s32 $0xFFFFE000  }
0x26: {  	[tilespmem:s17], [sflag:$0x1] =	stream.indirect.gather [hbm4b:s1+s16], $0x80, s4, s16, $0xb8;
	[tilespmem:$0x1F400] =	vst v63  }
0x27: {  	_ = 	snop  }
0x28: {  	[tilespmem:s19], [sflag:$0x2] =	stream.indirect.gather [hbm4b:s1+s16], $0x80, s18, s16, $0xb8;
	[tilespmem:$0x1F400] =	vst v63  }
0x29: {  	_ =	swait.ge [sflag:s20], $0x2800  }
0x2a: {  	[sflag:s20] =	ssyncset.done $0x0  }
0x2b: {  	[sflag:s20] =	ssyncadd.s32 $0xFFFFD800  }
0x2c: {  	[spmem:s2] =	stream.indirect.scatter.add.f32 [tilespmem:s17], [sflag:$0x4], $0x80, s15, s16, $0xb8;
	[tilespmem:$0x1F400] =	vst v63  }
0x2d: {  	_ = 	snop  }
0x2e: {  	[tilespmem:s22], [sflag:$0x3] =	stream.indirect.gather [hbm4b:s1+s16], $0x80, s21, s16, $0xb8;
	[tilespmem:$0x1F400] =	vst v63  }
0x2f: {  	_ =	swait.ge [sflag:s23], $0x2800  }
0x30: {  	[sflag:s23] =	ssyncset.done $0x0  }
0x31: {  	s12 =	simm.s32 $0x2080;
	[sflag:s23] =	ssyncadd.s32 $0xFFFFD800  }
0x32: {  	[spmem:s2] =	stream.indirect.scatter.add.f32 [tilespmem:s19], [sflag:$0x5], $0x80, s12, s16, $0xb8;
	[tilespmem:$0x1F400] =	vst v63  }
0x33: {  	_ =	swait.ge [sflag:s24], $0x2800  }
0x34: {  	[sflag:s24] =	ssyncset.done $0x0  }
0x35: {  	s11 =	simm.s32 $0x180;
	[sflag:s24] =	ssyncadd.s32 $0xFFFFD800  }
0x36: {  	[tilespmem:s17], [sflag:$0x1] =	stream.indirect.gather [hbm4b:s1+s16], $0x80, s11, s16, $0xb8;
	[tilespmem:$0x1F400] =	vst v63  }
0x37: {  	_ =	swait.ge [sflag:s25], $0x2800  }
0x38: {  	[sflag:s25] =	ssyncset.done $0x0  }
0x39: {  	s12 =	simm.s32 $0x2100;
	[sflag:s25] =	ssyncadd.s32 $0xFFFFD800  }
0x3a: {  	[spmem:s2] =	stream.indirect.scatter.add.f32 [tilespmem:s22], [sflag:$0x6], $0x80, s12, s16, $0xb8;
	[tilespmem:$0x1F400] =	vst v63  }
0x3b: {  	_ =	swait.ge [sflag:s26], $0x2800  }
0x3c: {  	[sflag:s26] =	ssyncset.done $0x0  }
0x3d: {  	s11 =	simm.s32 $0x200;
	[sflag:s26] =	ssyncadd.s32 $0xFFFFD800  }
0x3e: {  	[tilespmem:s19], [sflag:$0x2] =	stream.indirect.gather [hbm4b:s1+s16], $0x80, s11, s16, $0xb8;
	[tilespmem:$0x1F400] =	vst v63  }
0x3f: {  	_ =	swait.ge [sflag:s20], $0x2800  }
0x40: {  	[sflag:s20] =	ssyncset.done $0x0  }
0x41: {  	s12 =	simm.s32 $0x2180;
	[sflag:s20] =	ssyncadd.s32 $0xFFFFD800  }
0x42: {  	[spmem:s2] =	stream.indirect.scatter.add.f32 [tilespmem:s17], [sflag:$0x4], $0x80, s12, s16, $0xb8;
	[tilespmem:$0x1F400] =	vst v63  }
0x43: {  	_ =	swait.ge [sflag:s28], $0x2800  }
0x44: {  	[sflag:s28] =	ssyncset.done $0x0  }
0x45: {  	s5 =	simm.s32 $0x600;
	s11 =	simm.s32 $0x280;
	[sflag:s28] =	ssyncadd.s32 $0xFFFFD800  }
.LBB2_2:
0x46: {  	[tilespmem:s22], [sflag:$0x3] =	stream.indirect.gather [hbm4b:s1+s16], $0x80, s11, s16, $0xb8;
	[tilespmem:$0x1F400] =	vst v63  }
0x47: {  	s11 =	smov.u32 s5  }
0x48: {  	p0 =	sne.s32 s5, $0x7200;
	s5 =	sadd.s32 $0x600, s5;
	_ =	swait.ge [sflag:s23], $0x2800  }
0x49: {  	s11 =	sshra.s32 s11, $0x2;
	[sflag:s23] =	ssyncset.done $0x0  }
0x4a: {  	s12 =	sadd.s32 $0x2080, s11;
	[sflag:s23] =	ssyncadd.s32 $0xFFFFD800  }
0x4b: {  	[spmem:s2] =	stream.indirect.scatter.add.f32 [tilespmem:s19], [sflag:$0x5], $0x80, s12, s16, $0xb8;
	[tilespmem:$0x1F400] =	vst v63  }
0x4c: {  	_ =	swait.ge [sflag:s24], $0x2800  }
0x4d: {  	[sflag:s24] =	ssyncset.done $0x0  }
0x4e: {  	s12 =	sadd.s32 $0x180, s11;
	[sflag:s24] =	ssyncadd.s32 $0xFFFFD800  }
0x4f: {  	[tilespmem:s17], [sflag:$0x1] =	stream.indirect.gather [hbm4b:s1+s16], $0x80, s12, s16, $0xb8;
	[tilespmem:$0x1F400] =	vst v63  }
0x50: {  	_ =	swait.ge [sflag:s25], $0x2800  }
0x51: {  	[sflag:s25] =	ssyncset.done $0x0  }
0x52: {  	s12 =	sadd.s32 $0x2100, s11;
	[sflag:s25] =	ssyncadd.s32 $0xFFFFD800  }
0x53: {  	[spmem:s2] =	stream.indirect.scatter.add.f32 [tilespmem:s22], [sflag:$0x6], $0x80, s12, s16, $0xb8;
	[tilespmem:$0x1F400] =	vst v63  }
0x54: {  	_ =	swait.ge [sflag:s26], $0x2800  }
0x55: {  	[sflag:s26] =	ssyncset.done $0x0  }
0x56: {  	s12 =	sadd.s32 $0x200, s11;
	[sflag:s26] =	ssyncadd.s32 $0xFFFFD800  }
0x57: {  	[tilespmem:s19], [sflag:$0x2] =	stream.indirect.gather [hbm4b:s1+s16], $0x80, s12, s16, $0xb8;
	[tilespmem:$0x1F400] =	vst v63  }
0x58: {  	_ =	swait.ge [sflag:s20], $0x2800  }
0x59: {  	[sflag:s20] =	ssyncset.done $0x0  }
.Ltmp0:
0x5a: {  	s12 =	sadd.s32 $0x2180, s11;
	[sflag:s20] =	ssyncadd.s32 $0xFFFFD800;
	(pc) =	sbr.rel @p0 .LBB2_2-.Ltmp0, $4  }
0x5b: {  	[spmem:s2] =	stream.indirect.scatter.add.f32 [tilespmem:s17], [sflag:$0x4], $0x80, s12, s16, $0xb8;
	[tilespmem:$0x1F400] =	vst v63  }
0x5c: {  	_ =	swait.ge [sflag:s28], $0x2800  }
0x5d: {  	[sflag:s28] =	ssyncset.done $0x0  }
0x5e: {  	s11 =	sadd.s32 $0x280, s11;
	[sflag:s28] =	ssyncadd.s32 $0xFFFFD800  }
0x5f: {  	[tilespmem:s22], [sflag:$0x3] =	stream.indirect.gather [hbm4b:s1+s16], $0x80, s11, s16, $0xb8;
	[tilespmem:$0x1F400] =	vst v63  }
0x60: {  	_ =	swait.ge [sflag:s23], $0x2800  }
0x61: {  	[sflag:s23] =	ssyncset.done $0x0  }
0x62: {  	[sflag:s23] =	ssyncadd.s32 $0xFFFFD800  }
0x63: {  	[spmem:s2] =	stream.indirect.scatter.add.f32 [tilespmem:s19], [sflag:$0x5], $0x80, s29, s16, $0xb8;
	[tilespmem:$0x1F400] =	vst v63  }
0x64: {  	_ =	swait.ge [sflag:s24], $0x2800  }
0x65: {  	[sflag:s24] =	ssyncset.done $0x0  }
0x66: {  	[sflag:s24] =	ssyncadd.s32 $0xFFFFD800  }
0x67: {  	[tilespmem:s17], [sflag:$0x1] =	stream.indirect.gather [hbm4b:s1+s16], $0x80, s30, s16, $0xb8;
	[tilespmem:$0x1F400] =	vst v63  }
0x68: {  	_ =	swait.ge [sflag:s25], $0x2800  }
0x69: {  	[sflag:s25] =	ssyncset.done $0x0  }
0x6a: {  	[sflag:s25] =	ssyncadd.s32 $0xFFFFD800  }
0x6b: {  	[spmem:s2] =	stream.indirect.scatter.add.f32 [tilespmem:s22], [sflag:$0x6], $0x80, s31, s16, $0xb8;
	[tilespmem:$0x1F400] =	vst v63  }
0x6c: {  	_ =	swait.ge [sflag:s26], $0x2800  }
0x6d: {  	[sflag:s26] =	ssyncset.done $0x0  }
0x6e: {  	[sflag:s26] =	ssyncadd.s32 $0xFFFFD800  }
0x6f: {  	_ =	swait.ge [sflag:s20], $0x2800  }
0x70: {  	[sflag:s20] =	ssyncset.done $0x0  }
0x71: {  	[sflag:s20] =	ssyncadd.s32 $0xFFFFD800  }
0x72: {  	[spmem:s2] =	stream.indirect.scatter.add.f32 [tilespmem:s17], [sflag:$0x4], $0x80, s0, s16, $0xb8;
	[tilespmem:$0x1F400] =	vst v63  }
0x73: {  	_ =	swait.ge [sflag:s28], $0x2800  }
0x74: {  	[sflag:s28] =	ssyncset.done $0x0  }
0x75: {  	[sflag:s28] =	ssyncadd.s32 $0xFFFFD800  }
0x76: {  	_ =	swait.ge [sflag:s24], $0x2800  }
0x77: {  	[sflag:s24] =	ssyncset.done $0x0  }
0x78: {  	s5 =	simm.s32 $0x0;
	[sflag:s24] =	ssyncadd.s32 $0xFFFFD800  }
0x79: {  	[tilespmem:s5], [sflag:$0x7] =	stream.linear.gather [hbm4b:s9+s5], $0x2000, $0x38;
	[tilespmem:$0x1F400] =	vst v63  }
0x7a: {  	_ =	swait.ge [sflag:s14], $0x2000  }
0x7b: {  	[sflag:s14] =	ssyncset.done $0x0  }
0x7c: {  	[sflag:s14] =	ssyncadd.s32 $0xFFFFE000  }
0x7d: {  	[tilespmem:s15], [sflag:$0x7] =	stream.linear.gather [hbm4b:s10+s5], $0x2000, $0x38;
	[tilespmem:$0x1F400] =	vst v63  }
0x7e: {  	_ =	swait.ge [sflag:s14], $0x2000  }
0x7f: {  	[sflag:s14] =	ssyncset.done $0x0  }
0x80: {  	[sflag:s14] =	ssyncadd.s32 $0xFFFFE000  }
0x81: {  	[tilespmem:s17], [sflag:$0x1] =	stream.indirect.gather [hbm4b:s1+s16], $0x80, s5, s16, $0xb8;
	[tilespmem:$0x1F400] =	vst v63  }
0x82: {  	_ = 	snop  }
0x83: {  	[tilespmem:s19], [sflag:$0x2] =	stream.indirect.gather [hbm4b:s1+s16], $0x80, s18, s16, $0xb8;
	[tilespmem:$0x1F400] =	vst v63  }
0x84: {  	_ =	swait.ge [sflag:s20], $0x2800  }
0x85: {  	[sflag:s20] =	ssyncset.done $0x0  }
0x86: {  	[sflag:s20] =	ssyncadd.s32 $0xFFFFD800  }
0x87: {  	[spmem:s2] =	stream.indirect.scatter.add.f32 [tilespmem:s17], [sflag:$0x4], $0x80, s15, s16, $0xb8;
	[tilespmem:$0x1F400] =	vst v63  }
0x88: {  	_ = 	snop  }
0x89: {  	[tilespmem:s22], [sflag:$0x3] =	stream.indirect.gather [hbm4b:s1+s16], $0x80, s21, s16, $0xb8;
	[tilespmem:$0x1F400] =	vst v63  }
0x8a: {  	_ =	swait.ge [sflag:s23], $0x2800  }
0x8b: {  	[sflag:s23] =	ssyncset.done $0x0  }
0x8c: {  	s12 =	simm.s32 $0x2080;
	[sflag:s23] =	ssyncadd.s32 $0xFFFFD800  }
0x8d: {  	[spmem:s2] =	stream.indirect.scatter.add.f32 [tilespmem:s19], [sflag:$0x5], $0x80, s12, s16, $0xb8;
	[tilespmem:$0x1F400] =	vst v63  }
0x8e: {  	_ =	swait.ge [sflag:s24], $0x2800  }
0x8f: {  	[sflag:s24] =	ssyncset.done $0x0  }
0x90: {  	s11 =	simm.s32 $0x180;
	[sflag:s24] =	ssyncadd.s32 $0xFFFFD800  }
0x91: {  	[tilespmem:s17], [sflag:$0x1] =	stream.indirect.gather [hbm4b:s1+s16], $0x80, s11, s16, $0xb8;
	[tilespmem:$0x1F400] =	vst v63  }
0x92: {  	_ =	swait.ge [sflag:s25], $0x2800  }
0x93: {  	[sflag:s25] =	ssyncset.done $0x0  }
0x94: {  	s12 =	simm.s32 $0x2100;
	[sflag:s25] =	ssyncadd.s32 $0xFFFFD800  }
0x95: {  	[spmem:s2] =	stream.indirect.scatter.add.f32 [tilespmem:s22], [sflag:$0x6], $0x80, s12, s16, $0xb8;
	[tilespmem:$0x1F400] =	vst v63  }
0x96: {  	_ =	swait.ge [sflag:s26], $0x2800  }
0x97: {  	[sflag:s26] =	ssyncset.done $0x0  }
0x98: {  	s11 =	simm.s32 $0x200;
	[sflag:s26] =	ssyncadd.s32 $0xFFFFD800  }
0x99: {  	[tilespmem:s19], [sflag:$0x2] =	stream.indirect.gather [hbm4b:s1+s16], $0x80, s11, s16, $0xb8;
	[tilespmem:$0x1F400] =	vst v63  }
0x9a: {  	_ =	swait.ge [sflag:s20], $0x2800  }
0x9b: {  	[sflag:s20] =	ssyncset.done $0x0  }
0x9c: {  	s12 =	simm.s32 $0x2180;
	[sflag:s20] =	ssyncadd.s32 $0xFFFFD800  }
0x9d: {  	[spmem:s2] =	stream.indirect.scatter.add.f32 [tilespmem:s17], [sflag:$0x4], $0x80, s12, s16, $0xb8;
	[tilespmem:$0x1F400] =	vst v63  }
0x9e: {  	_ =	swait.ge [sflag:s28], $0x2800  }
0x9f: {  	[sflag:s28] =	ssyncset.done $0x0  }
0xa0: {  	s5 =	simm.s32 $0x600;
	s11 =	simm.s32 $0x280;
	[sflag:s28] =	ssyncadd.s32 $0xFFFFD800  }
.LBB2_4:
0xa1: {  	[tilespmem:s22], [sflag:$0x3] =	stream.indirect.gather [hbm4b:s1+s16], $0x80, s11, s16, $0xb8;
	[tilespmem:$0x1F400] =	vst v63  }
0xa2: {  	s11 =	smov.u32 s5  }
0xa3: {  	p0 =	sne.s32 s5, $0x7200;
	s5 =	sadd.s32 $0x600, s5;
	_ =	swait.ge [sflag:s23], $0x2800  }
0xa4: {  	s11 =	sshra.s32 s11, $0x2;
	[sflag:s23] =	ssyncset.done $0x0  }
0xa5: {  	s12 =	sadd.s32 $0x2080, s11;
	[sflag:s23] =	ssyncadd.s32 $0xFFFFD800  }
0xa6: {  	[spmem:s2] =	stream.indirect.scatter.add.f32 [tilespmem:s19], [sflag:$0x5], $0x80, s12, s16, $0xb8;
	[tilespmem:$0x1F400] =	vst v63  }
0xa7: {  	_ =	swait.ge [sflag:s24], $0x2800  }
0xa8: {  	[sflag:s24] =	ssyncset.done $0x0  }
0xa9: {  	s12 =	sadd.s32 $0x180, s11;
	[sflag:s24] =	ssyncadd.s32 $0xFFFFD800  }
0xaa: {  	[tilespmem:s17], [sflag:$0x1] =	stream.indirect.gather [hbm4b:s1+s16], $0x80, s12, s16, $0xb8;
	[tilespmem:$0x1F400] =	vst v63  }
0xab: {  	_ =	swait.ge [sflag:s25], $0x2800  }
0xac: {  	[sflag:s25] =	ssyncset.done $0x0  }
0xad: {  	s12 =	sadd.s32 $0x2100, s11;
	[sflag:s25] =	ssyncadd.s32 $0xFFFFD800  }
0xae: {  	[spmem:s2] =	stream.indirect.scatter.add.f32 [tilespmem:s22], [sflag:$0x6], $0x80, s12, s16, $0xb8;
	[tilespmem:$0x1F400] =	vst v63  }
0xaf: {  	_ =	swait.ge [sflag:s26], $0x2800  }
0xb0: {  	[sflag:s26] =	ssyncset.done $0x0  }
0xb1: {  	s12 =	sadd.s32 $0x200, s11;
	[sflag:s26] =	ssyncadd.s32 $0xFFFFD800  }
0xb2: {  	[tilespmem:s19], [sflag:$0x2] =	stream.indirect.gather [hbm4b:s1+s16], $0x80, s12, s16, $0xb8;
	[tilespmem:$0x1F400] =	vst v63  }
0xb3: {  	_ =	swait.ge [sflag:s20], $0x2800  }
0xb4: {  	[sflag:s20] =	ssyncset.done $0x0  }
.Ltmp1:
0xb5: {  	s12 =	sadd.s32 $0x2180, s11;
	[sflag:s20] =	ssyncadd.s32 $0xFFFFD800;
	(pc) =	sbr.rel @p0 .LBB2_4-.Ltmp1, $4  }
0xb6: {  	[spmem:s2] =	stream.indirect.scatter.add.f32 [tilespmem:s17], [sflag:$0x4], $0x80, s12, s16, $0xb8;
	[tilespmem:$0x1F400] =	vst v63  }
0xb7: {  	_ =	swait.ge [sflag:s28], $0x2800  }
0xb8: {  	[sflag:s28] =	ssyncset.done $0x0  }
0xb9: {  	s11 =	sadd.s32 $0x280, s11;
	[sflag:s28] =	ssyncadd.s32 $0xFFFFD800  }
0xba: {  	[tilespmem:s22], [sflag:$0x3] =	stream.indirect.gather [hbm4b:s1+s16], $0x80, s11, s16, $0xb8;
	[tilespmem:$0x1F400] =	vst v63  }
0xbb: {  	_ =	swait.ge [sflag:s23], $0x2800  }
0xbc: {  	[sflag:s23] =	ssyncset.done $0x0  }
0xbd: {  	[sflag:s23] =	ssyncadd.s32 $0xFFFFD800  }
0xbe: {  	[spmem:s2] =	stream.indirect.scatter.add.f32 [tilespmem:s19], [sflag:$0x5], $0x80, s29, s16, $0xb8;
	[tilespmem:$0x1F400] =	vst v63  }
0xbf: {  	_ =	swait.ge [sflag:s24], $0x2800  }
0xc0: {  	[sflag:s24] =	ssyncset.done $0x0  }
0xc1: {  	[sflag:s24] =	ssyncadd.s32 $0xFFFFD800  }
0xc2: {  	[tilespmem:s17], [sflag:$0x1] =	stream.indirect.gather [hbm4b:s1+s16], $0x80, s30, s16, $0xb8;
	[tilespmem:$0x1F400] =	vst v63  }
0xc3: {  	_ =	swait.ge [sflag:s25], $0x2800  }
0xc4: {  	[sflag:s25] =	ssyncset.done $0x0  }
0xc5: {  	[sflag:s25] =	ssyncadd.s32 $0xFFFFD800  }
0xc6: {  	[spmem:s2] =	stream.indirect.scatter.add.f32 [tilespmem:s22], [sflag:$0x6], $0x80, s31, s16, $0xb8;
	[tilespmem:$0x1F400] =	vst v63  }
0xc7: {  	_ =	swait.ge [sflag:s26], $0x2800  }
0xc8: {  	[sflag:s26] =	ssyncset.done $0x0  }
0xc9: {  	[sflag:s26] =	ssyncadd.s32 $0xFFFFD800  }
0xca: {  	_ =	swait.ge [sflag:s20], $0x2800  }
0xcb: {  	[sflag:s20] =	ssyncset.done $0x0  }
0xcc: {  	[sflag:s20] =	ssyncadd.s32 $0xFFFFD800  }
0xcd: {  	[spmem:s2] =	stream.indirect.scatter.add.f32 [tilespmem:s17], [sflag:$0x4], $0x80, s0, s16, $0xb8;
	[tilespmem:$0x1F400] =	vst v63  }
0xce: {  	_ =	swait.ge [sflag:s28], $0x2800  }
0xcf: {  	[sflag:s28] =	ssyncset.done $0x0  }
0xd0: {  	[sflag:s28] =	ssyncadd.s32 $0xFFFFD800  }
0xd1: {  	_ =	swait.ge [sflag:s24], $0x2800  }
0xd2: {  	[sflag:s24] =	ssyncset.done $0x0  }
0xd3: {  	[sflag:s24] =	ssyncadd.s32 $0xFFFFD800  }
0xd4: {  	[bflag:$0x0] =	sbarrier.arrive $0xFFFF  }
0xd5: {  	s5 =	rddreg [dreg:$0x5]  }
0xd6: {  	[hbm:s5], [sflag:s6] =	dma.local [spmem:s13], $0x2780  }
0xd7: {  	_ =	swait.ge [sflag:s14], $0x2780  }
0xd8: {  	s3 =	sadd.s32 $0x1, s3;
	s12 =	rddreg [dreg:$0x6]  }
0xd9: {  	p0 =	sne.s32 s3, s12  }
.Ltmp2:
0xda: {  	_ = 	snop;
	(pc) =	sbr.rel @p0 .LBB2_1-.Ltmp2, $3  }
0xdb: {  	_ =	sdelay $0x1  }
0xdc: {  	[sflag:s14] =	ssyncset.done $0x0  }
0xdd: {  	[sflag:s14] =	ssyncadd.s32 $0xFFFFD880  }
0xde: {  	_ =	sfence.sel $0x180000  }
0xdf: {  	[bflag:$0x0] =	sbarrier.arrive $0xFFFF  }
0xe0: {  	_ =	strace $0x90000047  }
0xe1: {  	s0 =	stileid.u32;
	[bflag:$0x2] =	sbarrier.arrive $0xFFFF  }
0xe2: {  	p0 =	sne.s32 s0, $0x0;
	s0 =	rddreg [dreg:$0x3]  }
0xe3: {  	s0 =	sadd.s32 @!p0 $0x100000, s0  }
0xe4: {  	[sflag:s0] =	ssyncadd.tile.s32 @!p0 $0x1;
	_ =	shalt  }
.Lfunc_end2:
_tile_overlayer_lowered:
.L_overlay_start_2:
0xe5: {  	(tag) =	ssettag $0x2  }
0xe6: {  	s0 =	rddreg [dreg:$0x0];
	s2 =	stileid.u32  }
0xe7: {  	s1 =	rddreg [dreg:$0x1];
	p0 =	sne.s32 s2, $0x0  }
0xe8: {  	s3 =	rddreg [dreg:$0x2];
	[bflag:$0x3] =	sbarrier.arrive $0xFFFF;
	s2 =	simm.s32 @!p0 $0x1C07  }
0xe9: {  	[timem:s3], [sflag:s2] =	dma.local @!p0 [hbm:s0], s1  }
0xea: {  	s0 =	simm.s32 @!p0 $0x7  }
0xeb: {  	_ =	swait.ge @!p0 [sflag:s0], s1  }
0xec: {  	s1 =	ssub.s32 @!p0 $0x0, s1;
	[sflag:s0] =	ssyncset.done @!p0 $0x0  }
0xed: {  	[sflag:s0] =	ssyncadd.s32 @!p0 s1  }
0xee: {  	[bflag:$0x3] =	sbarrier.arrive $0xFFFF  }
0xef: {  	_ =	shalt  }

</sc_bundles>
